<compile_context>
chip_gen: v7x
topology: tpu7x:2x2x1
jax: 0.10.2.dev20260603
libtpu: 0.0.44.dev20260713+nightly
codegen_flags: <defaults>
</compile_context>

<pallas_src>
import functools

import jax
import jax.numpy as jnp
from jax import lax
from jax.experimental import pallas as pl
from jax.experimental.pallas import tpu as pltpu
from jax.experimental.pallas import tpu_sc as plsc

N = 4194304
B = 4096

NC = 2
NS = 16
NW = NC * NS
CHUNK = N // NW
PIECE = 16384
NPIECE = CHUNK // PIECE
SLICE = B // NS


def _lane_shift_right(f, lane):
    idx = jnp.maximum(lane - 1, 0)
    dnums = lax.GatherDimensionNumbers(
        offset_dims=(), collapsed_slice_dims=(0,), start_index_map=(0,))
    g = lax.gather(f, idx[:, None], dnums, (1,),
                   mode=lax.GatherScatterMode.PROMISE_IN_BOUNDS)
    return jnp.where(lane == 0, 0.0, g)


def _sc_seg_body(sq_hbm, ids_hbm, out_hbm, vals_v, ids_v, acc_t, merge_v,
                 stage_sh, sems):
    cid = lax.axis_index("c")
    sid = lax.axis_index("s")
    wid = sid * NC + cid

    zeros16 = jnp.zeros((16,), jnp.float32)

    @plsc.parallel_loop(0, B // 16, 1, unroll=8)
    def _z(i):
        acc_t[pl.ds(i * 16, 16)] = zeros16

    base = wid * CHUNK
    lane = lax.iota(jnp.int32, 16)
    is15 = lane == 15

    def _start(k, b):
        off = pl.multiple_of(base + k * PIECE, PIECE)
        pltpu.async_copy(sq_hbm.at[pl.ds(off, PIECE)],
                         vals_v.at[b, pl.ds(0, PIECE)], sems.at[b, 0])
        pltpu.async_copy(ids_hbm.at[pl.ds(off, PIECE)],
                         ids_v.at[b, pl.ds(0, PIECE)], sems.at[b, 1])

    def _wait(k, b):
        off = pl.multiple_of(base + k * PIECE, PIECE)
        pltpu.make_async_copy(sq_hbm.at[pl.ds(off, PIECE)],
                              vals_v.at[b, pl.ds(0, PIECE)], sems.at[b, 0]).wait()
        pltpu.make_async_copy(ids_hbm.at[pl.ds(off, PIECE)],
                              ids_v.at[b, pl.ds(0, PIECE)], sems.at[b, 1]).wait()

    def _compute(b):
        @plsc.parallel_loop(0, PIECE // 16, 1, unroll=16)
        def _vreg(i):
            v = vals_v[b, pl.ds(i * 16, 16)]
            sids = ids_v[b, pl.ds(i * 16, 16)]
            nxt = ids_v[b, pl.ds(i * 16 + 1, 16)]
            c = plsc.cumsum(v)
            m = jnp.logical_or(sids != nxt, is15)
            f = plsc.cummax(jnp.where(m, c, 0.0))
            prev = _lane_shift_right(f, lane)
            plsc.addupdate_scatter(acc_t, [sids], c - prev, mask=m)

    _start(0, 0)

    def _piece(p, _):
        for b in range(2):
            k = p * 2 + b

            @pl.when(k + 1 < NPIECE)
            def _():
                _start(k + 1, 1 - b)

            _wait(k, b)
            _compute(b)
        return 0

    lax.fori_loop(0, NPIECE // 2, _piece, 0)

    pltpu.sync_copy(acc_t, stage_sh.at[sid])
    plsc.subcore_barrier()
    pltpu.sync_copy(stage_sh.at[:, pl.ds(sid * SLICE, SLICE)], merge_v)

    def _m(i, _):
        s = merge_v[0, pl.ds(i * 16, 16)]
        for r in range(1, NS):
            s = s + merge_v[r, pl.ds(i * 16, 16)]
        merge_v[0, pl.ds(i * 16, 16)] = s
        return 0

    lax.fori_loop(0, SLICE // 16, _m, 0)
    pltpu.sync_copy(merge_v.at[0], out_hbm.at[cid, pl.ds(sid * SLICE, SLICE)])


def _sc_call(sq, ids):
    mesh = plsc.VectorSubcoreMesh(core_axis_name="c", subcore_axis_name="s")
    f = functools.partial(
        pl.kernel,
        out_type=jax.ShapeDtypeStruct((NC, B), jnp.float32),
        mesh=mesh,
        compiler_params=pltpu.CompilerParams(needs_layout_passes=False),
        scratch_types=[
            pltpu.VMEM((2, PIECE), jnp.float32),
            pltpu.VMEM((2, PIECE + 16), jnp.int32),
            pltpu.VMEM((B,), jnp.float32),
            pltpu.VMEM((NS, SLICE), jnp.float32),
            pltpu.VMEM_SHARED((NS, B), jnp.float32),
            pltpu.SemaphoreType.DMA((2, 2)),
        ],
    )(_sc_seg_body)
    return f(sq, ids)


def kernel(positions, segment_ids, minimum):
    d = positions - minimum
    neg_grad = -2.0 * d
    d2 = d * d
    sq = d2[:, 0] + d2[:, 1] + d2[:, 2]
    partial = _sc_call(sq, segment_ids.astype(jnp.int32))
    energies = partial[0] + partial[1]
    stress = jnp.zeros((B, 6), jnp.float32)
    return (energies, neg_grad, stress)

# --- scband reference (transcript-rebuilt; emitter-appended) ---
"""Pipeline reference for scband-euclidean-norm-model-35081292873760 (READ-ONLY COPY).

The authoritative reference and input builder live on the scoring server;
editing this copy changes nothing except your own understanding.
"""

import jax, jax.numpy as jnp
import numpy as np

N = 4194304
B = 4096

def setup_inputs(seed: int = 0) -> dict:
    key = jax.random.key(seed)
    k1, k2 = jax.random.split(key)
    positions = jax.random.normal(k1, (N, 3), dtype=jnp.float32)
    segment_ids = jnp.sort(jax.random.randint(k2, (N,), 0, B))
    # 'minimum' is a buffer built from the __init__ arg minimum=[-0.5, -2.0, -1.0]
    minimum = jnp.array([-0.5, -2.0, -1.0], dtype=jnp.float32)
    return {"positions": positions, "segment_ids": segment_ids, "minimum": minimum}

def reference(positions, segment_ids, minimum):
    # sqnorm = torch.norm(positions - minimum, dim=1) ** 2
    diff = positions - minimum
    sqnorm = jnp.sum(diff * diff, axis=1)
    # energies = segment_ops.aggregate_nodes(sqnorm, batch.n_node, reduction='sum')
    # aggregate_nodes sums node values per graph; equivalent to segment_sum over
    # segment ids derived from n_node counts.
    energies = jax.ops.segment_sum(sqnorm, segment_ids, num_segments=B)
    # neg_grad = 2 * (minimum - positions)
    neg_grad = 2.0 * (minimum - positions)
    # stress = zeros(energies.shape + (6,))
    stress = jnp.zeros((B, 6), dtype=positions.dtype)
    return (energies, neg_grad, stress)

if __name__ == "__main__":
    import jax
    _d = setup_inputs()
    print(jax.jit(kernel)(*tuple(_d.values())))

</pallas_src>

<mosaic_0001>
#map = affine_map<(d0, d1) -> (0)>
#map1 = affine_map<(d0, d1) -> (0, 0)>
module attributes {stable_mosaic.version = 14 : i64} {
  func.func @_sc_seg_body(%arg0: i32, %arg1: i32, %arg2: memref<4194304xf32, #tpu.memory_space<hbm>>, %arg3: memref<4194304xi32, #tpu.memory_space<hbm>>, %arg4: memref<2x4096xf32, #tpu.memory_space<hbm>>, %arg5: memref<2x16384xf32, #tpu.memory_space<vmem>>, %arg6: memref<2x16400xi32, #tpu.memory_space<vmem>>, %arg7: memref<4096xf32, #tpu.memory_space<vmem>>, %arg8: memref<16x256xf32, #tpu.memory_space<vmem>>, %arg9: memref<16x4096xf32, #tpu.memory_space<vmem_shared>>, %arg10: memref<2x2x!tpu.dma_semaphore, #tpu.memory_space<semaphore_mem>>) attributes {dimension_semantics = [#tpu.dimension_semantics<core_parallel>, #tpu.dimension_semantics<subcore_parallel>], iteration_bounds = array<i64: 2, 16>, scalar_prefetch = 0 : i64, scratch_operands = 6 : i64, tpu.core_type = #tpu.core_type<sc_vector_subcore>, window_params = [{transform_indices = #map}, {transform_indices = #map}, {transform_indices = #map1}]} {
    %mul3A = arith.constant 2 : i32
    %mul3A_0 = arith.muli %arg1, %mul3A : i32
    %add3A = arith.addi %mul3A_0, %arg0 : i32
    %broadcast_in_dim3A = arith.constant 0.000000e+00 : f32
    %broadcast_in_dim3A_1 = vector.broadcast %broadcast_in_dim3A : f32 to vector<16xf32>
    %parallel_loop3A = arith.constant 0 : i32
    %parallel_loop3A_2 = arith.constant 256 : i32
    %parallel_loop3A_3 = arith.constant 1 : i32
    scf.for %parallel_loop3A_52 = %parallel_loop3A to %parallel_loop3A_2 step %parallel_loop3A_3  : i32 {
      %parallel_loop3A_53 = arith.constant 16 : i32
      %parallel_loop3A_54 = arith.muli %parallel_loop3A_52, %parallel_loop3A_53 : i32
      %parallel_loop3A_55 = arith.index_cast %parallel_loop3A_54 : i32 to index
      %parallel_loop3A_56 = tpu.vector_load %arg7[%parallel_loop3A_55] {strides = array<i32>} : memref<4096xf32, #tpu.memory_space<vmem>>, vector<16xf32>,
      tpu.vector_store %arg7[%parallel_loop3A_55], %broadcast_in_dim3A_1 {strides = array<i32>} : memref<4096xf32, #tpu.memory_space<vmem>>, vector<16xf32>,
    } {sc.loop_unroll_factor = 8 : i64, sc.parallel_access}
    %mul3A_4 = arith.constant 131072 : i32
    %mul3A_5 = arith.muli %add3A, %mul3A_4 : i32
    %iota3A = tpu.iota {dimensions = array<i32: 0>} : vector<16xi32>
    %eq3A = arith.constant 15 : i32
    %eq3A_6 = vector.broadcast %eq3A : i32 to vector<16xi32>
    %eq3A_7 = arith.cmpi eq, %iota3A, %eq3A_6 : vector<16xi32>
    %add3A_8 = arith.constant 0 : i32
    %add3A_9 = arith.addi %mul3A_5, %add3A_8 : i32
    %multiple_of3A = tpu.assume_multiple %add3A_9, 16384 : i32
    %dma_start3A = arith.constant 0 : i32
    %dma_start3A_10 = arith.constant 0 : i32
    %dma_start3A_11 = arith.constant 0 : i32
    %dma_start3A_12 = arith.constant 0 : i32
    %dma_start3A_13 = tpu.memref_slice %arg5[%dma_start3A, %dma_start3A_12] : memref<2x16384xf32, #tpu.memory_space<vmem>> -> memref<1x16384xf32, #tpu.memory_space<vmem>>
    %dma_start3A_14 = tpu.memref_squeeze %dma_start3A_13 : memref<1x16384xf32, #tpu.memory_space<vmem>> -> memref<16384xf32, #tpu.memory_space<vmem>>
    %dma_start3A_15 = tpu.memref_slice %arg2[%multiple_of3A] : memref<4194304xf32, #tpu.memory_space<hbm>> -> memref<16384xf32, #tpu.memory_space<hbm>>
    %dma_start3A_16 = tpu.memref_slice %arg10[%dma_start3A_10, %dma_start3A_11] : memref<2x2x!tpu.dma_semaphore, #tpu.memory_space<semaphore_mem>> -> memref<1x1x!tpu.dma_semaphore, #tpu.memory_space<semaphore_mem>>
    %dma_start3A_17 = tpu.memref_squeeze %dma_start3A_16 : memref<1x1x!tpu.dma_semaphore, #tpu.memory_space<semaphore_mem>> -> memref<!tpu.dma_semaphore, #tpu.memory_space<semaphore_mem>>
    %dma_start3A_18 = arith.constant 0 : i32
    %dma_start3A_19 = tpu.memref_slice %arg5[%dma_start3A, %dma_start3A_18] : memref<2x16384xf32, #tpu.memory_space<vmem>> -> memref<1x16384xf32, #tpu.memory_space<vmem>>
    %dma_start3A_20 = tpu.memref_squeeze %dma_start3A_19 : memref<1x16384xf32, #tpu.memory_space<vmem>> -> memref<16384xf32, #tpu.memory_space<vmem>>
    %dma_start3A_21 = tpu.memref_slice %arg2[%multiple_of3A] : memref<4194304xf32, #tpu.memory_space<hbm>> -> memref<16384xf32, #tpu.memory_space<hbm>>
    tpu.enqueue_dma source(%dma_start3A_21 : memref<16384xf32, #tpu.memory_space<hbm>>) target(%dma_start3A_20 : memref<16384xf32, #tpu.memory_space<vmem>>) target_semaphore(%dma_start3A_17 : memref<!tpu.dma_semaphore, #tpu.memory_space<semaphore_mem>>)
    %dma_start3A_22 = arith.constant 0 : i32
    %dma_start3A_23 = arith.constant 0 : i32
    %dma_start3A_24 = arith.constant 1 : i32
    %dma_start3A_25 = arith.constant 0 : i32
    %dma_start3A_26 = tpu.memref_slice %arg6[%dma_start3A_22, %dma_start3A_25] : memref<2x16400xi32, #tpu.memory_space<vmem>> -> memref<1x16384xi32, #tpu.memory_space<vmem>>
    %dma_start3A_27 = tpu.memref_squeeze %dma_start3A_26 : memref<1x16384xi32, #tpu.memory_space<vmem>> -> memref<16384xi32, #tpu.memory_space<vmem>>
    %dma_start3A_28 = tpu.memref_slice %arg3[%multiple_of3A] : memref<4194304xi32, #tpu.memory_space<hbm>> -> memref<16384xi32, #tpu.memory_space<hbm>>
    %dma_start3A_29 = tpu.memref_slice %arg10[%dma_start3A_23, %dma_start3A_24] : memref<2x2x!tpu.dma_semaphore, #tpu.memory_space<semaphore_mem>> -> memref<1x1x!tpu.dma_semaphore, #tpu.memory_space<semaphore_mem>>
    %dma_start3A_30 = tpu.memref_squeeze %dma_start3A_29 : memref<1x1x!tpu.dma_semaphore, #tpu.memory_space<semaphore_mem>> -> memref<!tpu.dma_semaphore, #tpu.memory_space<semaphore_mem>>
    %dma_start3A_31 = arith.constant 0 : i32
    %dma_start3A_32 = tpu.memref_slice %arg6[%dma_start3A_22, %dma_start3A_31] : memref<2x16400xi32, #tpu.memory_space<vmem>> -> memref<1x16384xi32, #tpu.memory_space<vmem>>
    %dma_start3A_33 = tpu.memref_squeeze %dma_start3A_32 : memref<1x16384xi32, #tpu.memory_space<vmem>> -> memref<16384xi32, #tpu.memory_space<vmem>>
    %dma_start3A_34 = tpu.memref_slice %arg3[%multiple_of3A] : memref<4194304xi32, #tpu.memory_space<hbm>> -> memref<16384xi32, #tpu.memory_space<hbm>>
    tpu.enqueue_dma source(%dma_start3A_34 : memref<16384xi32, #tpu.memory_space<hbm>>) target(%dma_start3A_33 : memref<16384xi32, #tpu.memory_space<vmem>>) target_semaphore(%dma_start3A_30 : memref<!tpu.dma_semaphore, #tpu.memory_space<semaphore_mem>>)
    %scan3A = arith.constant 0 : i32
    %scan3A_35 = arith.constant 0 : i32
    %scan3A_36 = arith.constant 4 : i32
    %scan3A_37 = arith.addi %scan3A_35, %scan3A_36 : i32
    %scan3A_38 = arith.constant 1 : i32
    %scan3A_39 = scf.for %scan3A_52 = %scan3A_35 to %scan3A_37 step %scan3A_38 iter_args(%scan3A_53 = %scan3A) -> (i32)  : i32 {
      %mul3A_54 = arith.constant 2 : i32
      %mul3A_55 = arith.muli %scan3A_52, %mul3A_54 : i32
      %add3A_56 = arith.constant 0 : i32
      %add3A_57 = arith.addi %mul3A_55, %add3A_56 : i32
      %add3A_58 = arith.constant 1 : i32
      %add3A_59 = arith.addi %add3A_57, %add3A_58 : i32
      %lt3A = arith.constant 8 : i32
      %lt3A_60 = arith.cmpi slt, %add3A_59, %lt3A : i32
      %convert_element_type3A = arith.extui %lt3A_60 : i1 to i32
      %cond3A = arith.constant 0 : i32
      %cond3A_61 = arith.cmpi ne, %convert_element_type3A, %cond3A : i32
      scf.if %cond3A_61 {
        %add3A_139 = arith.constant 1 : i32
        %add3A_140 = arith.addi %add3A_57, %add3A_139 : i32
        %mul3A_141 = arith.constant 16384 : i32
        %mul3A_142 = arith.muli %add3A_140, %mul3A_141 : i32
        %add3A_143 = arith.addi %mul3A_5, %mul3A_142 : i32
        %multiple_of3A_144 = tpu.assume_multiple %add3A_143, 16384 : i32
        %dma_start3A_145 = arith.constant 1 : i32
        %dma_start3A_146 = arith.constant 1 : i32
        %dma_start3A_147 = arith.constant 0 : i32
        %dma_start3A_148 = arith.constant 0 : i32
        %dma_start3A_149 = tpu.memref_slice %arg5[%dma_start3A_145, %dma_start3A_148] : memref<2x16384xf32, #tpu.memory_space<vmem>> -> memref<1x16384xf32, #tpu.memory_space<vmem>>
        %dma_start3A_150 = tpu.memref_squeeze %dma_start3A_149 : memref<1x16384xf32, #tpu.memory_space<vmem>> -> memref<16384xf32, #tpu.memory_space<vmem>>
        %dma_start3A_151 = tpu.memref_slice %arg2[%multiple_of3A_144] : memref<4194304xf32, #tpu.memory_space<hbm>> -> memref<16384xf32, #tpu.memory_space<hbm>>
        %dma_start3A_152 = tpu.memref_slice %arg10[%dma_start3A_146, %dma_start3A_147] : memref<2x2x!tpu.dma_semaphore, #tpu.memory_space<semaphore_mem>> -> memref<1x1x!tpu.dma_semaphore, #tpu.memory_space<semaphore_mem>>
        %dma_start3A_153 = tpu.memref_squeeze %dma_start3A_152 : memref<1x1x!tpu.dma_semaphore, #tpu.memory_space<semaphore_mem>> -> memref<!tpu.dma_semaphore, #tpu.memory_space<semaphore_mem>>
        %dma_start3A_154 = arith.constant 0 : i32
        %dma_start3A_155 = tpu.memref_slice %arg5[%dma_start3A_145, %dma_start3A_154] : memref<2x16384xf32, #tpu.memory_space<vmem>> -> memref<1x16384xf32, #tpu.memory_space<vmem>>
        %dma_start3A_156 = tpu.memref_squeeze %dma_start3A_155 : memref<1x16384xf32, #tpu.memory_space<vmem>> -> memref<16384xf32, #tpu.memory_space<vmem>>
        %dma_start3A_157 = tpu.memref_slice %arg2[%multiple_of3A_144] : memref<4194304xf32, #tpu.memory_space<hbm>> -> memref<16384xf32, #tpu.memory_space<hbm>>
        tpu.enqueue_dma source(%dma_start3A_157 : memref<16384xf32, #tpu.memory_space<hbm>>) target(%dma_start3A_156 : memref<16384xf32, #tpu.memory_space<vmem>>) target_semaphore(%dma_start3A_153 : memref<!tpu.dma_semaphore, #tpu.memory_space<semaphore_mem>>)
        %dma_start3A_158 = arith.constant 1 : i32
        %dma_start3A_159 = arith.constant 1 : i32
        %dma_start3A_160 = arith.constant 1 : i32
        %dma_start3A_161 = arith.constant 0 : i32
        %dma_start3A_162 = tpu.memref_slice %arg6[%dma_start3A_158, %dma_start3A_161] : memref<2x16400xi32, #tpu.memory_space<vmem>> -> memref<1x16384xi32, #tpu.memory_space<vmem>>
        %dma_start3A_163 = tpu.memref_squeeze %dma_start3A_162 : memref<1x16384xi32, #tpu.memory_space<vmem>> -> memref<16384xi32, #tpu.memory_space<vmem>>
        %dma_start3A_164 = tpu.memref_slice %arg3[%multiple_of3A_144] : memref<4194304xi32, #tpu.memory_space<hbm>> -> memref<16384xi32, #tpu.memory_space<hbm>>
        %dma_start3A_165 = tpu.memref_slice %arg10[%dma_start3A_159, %dma_start3A_160] : memref<2x2x!tpu.dma_semaphore, #tpu.memory_space<semaphore_mem>> -> memref<1x1x!tpu.dma_semaphore, #tpu.memory_space<semaphore_mem>>
        %dma_start3A_166 = tpu.memref_squeeze %dma_start3A_165 : memref<1x1x!tpu.dma_semaphore, #tpu.memory_space<semaphore_mem>> -> memref<!tpu.dma_semaphore, #tpu.memory_space<semaphore_mem>>
        %dma_start3A_167 = arith.constant 0 : i32
        %dma_start3A_168 = tpu.memref_slice %arg6[%dma_start3A_158, %dma_start3A_167] : memref<2x16400xi32, #tpu.memory_space<vmem>> -> memref<1x16384xi32, #tpu.memory_space<vmem>>
        %dma_start3A_169 = tpu.memref_squeeze %dma_start3A_168 : memref<1x16384xi32, #tpu.memory_space<vmem>> -> memref<16384xi32, #tpu.memory_space<vmem>>
        %dma_start3A_170 = tpu.memref_slice %arg3[%multiple_of3A_144] : memref<4194304xi32, #tpu.memory_space<hbm>> -> memref<16384xi32, #tpu.memory_space<hbm>>
        tpu.enqueue_dma source(%dma_start3A_170 : memref<16384xi32, #tpu.memory_space<hbm>>) target(%dma_start3A_169 : memref<16384xi32, #tpu.memory_space<vmem>>) target_semaphore(%dma_start3A_166 : memref<!tpu.dma_semaphore, #tpu.memory_space<semaphore_mem>>)
      } else {
      }
      %mul3A_62 = arith.constant 16384 : i32
      %mul3A_63 = arith.muli %add3A_57, %mul3A_62 : i32
      %add3A_64 = arith.addi %mul3A_5, %mul3A_63 : i32
      %multiple_of3A_65 = tpu.assume_multiple %add3A_64, 16384 : i32
      %dma_wait3A = arith.constant 0 : i32
      %dma_wait3A_66 = arith.constant 0 : i32
      %dma_wait3A_67 = arith.constant 0 : i32
      %dma_wait3A_68 = arith.constant 0 : i32
      %dma_wait3A_69 = tpu.memref_slice %arg5[%dma_wait3A, %dma_wait3A_68] : memref<2x16384xf32, #tpu.memory_space<vmem>> -> memref<1x16384xf32, #tpu.memory_space<vmem>>
      %dma_wait3A_70 = tpu.memref_squeeze %dma_wait3A_69 : memref<1x16384xf32, #tpu.memory_space<vmem>> -> memref<16384xf32, #tpu.memory_space<vmem>>
      %dma_wait3A_71 = tpu.memref_slice %arg2[%multiple_of3A_65] : memref<4194304xf32, #tpu.memory_space<hbm>> -> memref<16384xf32, #tpu.memory_space<hbm>>
      %dma_wait3A_72 = tpu.memref_slice %arg10[%dma_wait3A_66, %dma_wait3A_67] : memref<2x2x!tpu.dma_semaphore, #tpu.memory_space<semaphore_mem>> -> memref<1x1x!tpu.dma_semaphore, #tpu.memory_space<semaphore_mem>>
      %dma_wait3A_73 = tpu.memref_squeeze %dma_wait3A_72 : memref<1x1x!tpu.dma_semaphore, #tpu.memory_space<semaphore_mem>> -> memref<!tpu.dma_semaphore, #tpu.memory_space<semaphore_mem>>
      %dma_wait3A_74 = arith.constant 0 : i32
      %dma_wait3A_75 = tpu.memref_slice %arg5[%dma_wait3A, %dma_wait3A_74] : memref<2x16384xf32, #tpu.memory_space<vmem>> -> memref<1x16384xf32, #tpu.memory_space<vmem>>
      %dma_wait3A_76 = tpu.memref_squeeze %dma_wait3A_75 : memref<1x16384xf32, #tpu.memory_space<vmem>> -> memref<16384xf32, #tpu.memory_space<vmem>>
      %dma_wait3A_77 = tpu.memref_slice %arg2[%multiple_of3A_65] : memref<4194304xf32, #tpu.memory_space<hbm>> -> memref<16384xf32, #tpu.memory_space<hbm>>
      tpu.wait_dma2 semaphore(%dma_wait3A_73 : memref<!tpu.dma_semaphore, #tpu.memory_space<semaphore_mem>>) src(%dma_wait3A_77 : memref<16384xf32, #tpu.memory_space<hbm>>) dst(%dma_wait3A_76 : memref<16384xf32, #tpu.memory_space<vmem>>)
      %dma_wait3A_78 = arith.constant 0 : i32
      %dma_wait3A_79 = arith.constant 0 : i32
      %dma_wait3A_80 = arith.constant 1 : i32
      %dma_wait3A_81 = arith.constant 0 : i32
      %dma_wait3A_82 = tpu.memref_slice %arg6[%dma_wait3A_78, %dma_wait3A_81] : memref<2x16400xi32, #tpu.memory_space<vmem>> -> memref<1x16384xi32, #tpu.memory_space<vmem>>
      %dma_wait3A_83 = tpu.memref_squeeze %dma_wait3A_82 : memref<1x16384xi32, #tpu.memory_space<vmem>> -> memref<16384xi32, #tpu.memory_space<vmem>>
      %dma_wait3A_84 = tpu.memref_slice %arg3[%multiple_of3A_65] : memref<4194304xi32, #tpu.memory_space<hbm>> -> memref<16384xi32, #tpu.memory_space<hbm>>
      %dma_wait3A_85 = tpu.memref_slice %arg10[%dma_wait3A_79, %dma_wait3A_80] : memref<2x2x!tpu.dma_semaphore, #tpu.memory_space<semaphore_mem>> -> memref<1x1x!tpu.dma_semaphore, #tpu.memory_space<semaphore_mem>>
      %dma_wait3A_86 = tpu.memref_squeeze %dma_wait3A_85 : memref<1x1x!tpu.dma_semaphore, #tpu.memory_space<semaphore_mem>> -> memref<!tpu.dma_semaphore, #tpu.memory_space<semaphore_mem>>
      %dma_wait3A_87 = arith.constant 0 : i32
      %dma_wait3A_88 = tpu.memref_slice %arg6[%dma_wait3A_78, %dma_wait3A_87] : memref<2x16400xi32, #tpu.memory_space<vmem>> -> memref<1x16384xi32, #tpu.memory_space<vmem>>
      %dma_wait3A_89 = tpu.memref_squeeze %dma_wait3A_88 : memref<1x16384xi32, #tpu.memory_space<vmem>> -> memref<16384xi32, #tpu.memory_space<vmem>>
      %dma_wait3A_90 = tpu.memref_slice %arg3[%multiple_of3A_65] : memref<4194304xi32, #tpu.memory_space<hbm>> -> memref<16384xi32, #tpu.memory_space<hbm>>
      tpu.wait_dma2 semaphore(%dma_wait3A_86 : memref<!tpu.dma_semaphore, #tpu.memory_space<semaphore_mem>>) src(%dma_wait3A_90 : memref<16384xi32, #tpu.memory_space<hbm>>) dst(%dma_wait3A_89 : memref<16384xi32, #tpu.memory_space<vmem>>)
      %parallel_loop3A_91 = arith.constant 0 : i32
      %parallel_loop3A_92 = arith.constant 1024 : i32
      %parallel_loop3A_93 = arith.constant 1 : i32
      scf.for %parallel_loop3A_139 = %parallel_loop3A_91 to %parallel_loop3A_92 step %parallel_loop3A_93  : i32 {
        %parallel_loop3A_140 = arith.constant 16 : i32
        %parallel_loop3A_141 = arith.muli %parallel_loop3A_139, %parallel_loop3A_140 : i32
        %parallel_loop3A_142 = arith.constant 0 : i32
        %parallel_loop3A_143 = arith.index_cast %parallel_loop3A_142 : i32 to index
        %parallel_loop3A_144 = arith.index_cast %parallel_loop3A_141 : i32 to index
        %parallel_loop3A_145 = tpu.vector_load %arg5[%parallel_loop3A_143, %parallel_loop3A_144] {strides = array<i32>} : memref<2x16384xf32, #tpu.memory_space<vmem>>, vector<16xf32>,
        %parallel_loop3A_146 = arith.constant 16 : i32
        %parallel_loop3A_147 = arith.muli %parallel_loop3A_139, %parallel_loop3A_146 : i32
        %parallel_loop3A_148 = arith.constant 0 : i32
        %parallel_loop3A_149 = arith.index_cast %parallel_loop3A_148 : i32 to index
        %parallel_loop3A_150 = arith.index_cast %parallel_loop3A_147 : i32 to index
        %parallel_loop3A_151 = tpu.vector_load %arg6[%parallel_loop3A_149, %parallel_loop3A_150] {strides = array<i32>} : memref<2x16400xi32, #tpu.memory_space<vmem>>, vector<16xi32>,
        %parallel_loop3A_152 = arith.constant 16 : i32
        %parallel_loop3A_153 = arith.muli %parallel_loop3A_139, %parallel_loop3A_152 : i32
        %parallel_loop3A_154 = arith.constant 1 : i32
        %parallel_loop3A_155 = arith.addi %parallel_loop3A_153, %parallel_loop3A_154 : i32
        %parallel_loop3A_156 = arith.constant 0 : i32
        %parallel_loop3A_157 = arith.index_cast %parallel_loop3A_156 : i32 to index
        %parallel_loop3A_158 = arith.index_cast %parallel_loop3A_155 : i32 to index
        %parallel_loop3A_159 = tpu.vector_load %arg6[%parallel_loop3A_157, %parallel_loop3A_158] {strides = array<i32>} : memref<2x16400xi32, #tpu.memory_space<vmem>>, vector<16xi32>,
        %parallel_loop3A_160 = arith.constant true
        %parallel_loop3A_161 = vector.broadcast %parallel_loop3A_160 : i1 to vector<16xi1>
        %parallel_loop3A_162 = tpu.scan <sum>, %parallel_loop3A_145 masked %parallel_loop3A_161 : vector<16xf32>, vector<16xi1> -> vector<16xf32>
        %parallel_loop3A_163 = arith.cmpi ne, %parallel_loop3A_151, %parallel_loop3A_159 : vector<16xi32>
        %parallel_loop3A_164 = arith.ori %parallel_loop3A_163, %eq3A_7 : vector<16xi1>
        %parallel_loop3A_165 = arith.constant 0.000000e+00 : f32
        %parallel_loop3A_166 = vector.broadcast %parallel_loop3A_165 : f32 to vector<16xf32>
        %parallel_loop3A_167 = arith.select %parallel_loop3A_164, %parallel_loop3A_162, %parallel_loop3A_166 : vector<16xi1>, vector<16xf32>
        %parallel_loop3A_168 = arith.constant true
        %parallel_loop3A_169 = vector.broadcast %parallel_loop3A_168 : i1 to vector<16xi1>
        %parallel_loop3A_170 = tpu.scan <max>, %parallel_loop3A_167 masked %parallel_loop3A_169 : vector<16xf32>, vector<16xi1> -> vector<16xf32>
        %parallel_loop3A_171 = arith.constant 1 : i32
        %parallel_loop3A_172 = vector.broadcast %parallel_loop3A_171 : i32 to vector<16xi32>
        %parallel_loop3A_173 = arith.subi %iota3A, %parallel_loop3A_172 : vector<16xi32>
        %parallel_loop3A_174 = arith.constant 0 : i32
        %parallel_loop3A_175 = vector.broadcast %parallel_loop3A_174 : i32 to vector<16xi32>
        %parallel_loop3A_176 = arith.maxsi %parallel_loop3A_173, %parallel_loop3A_175 : vector<16xi32>
        %parallel_loop3A_177 = vector.shape_cast %parallel_loop3A_176 : vector<16xi32> to vector<16x1xi32>
        %parallel_loop3A_178 = vector.shape_cast %parallel_loop3A_177 : vector<16x1xi32> to vector<16xi32>
        %parallel_loop3A_179 = tpu.dynamic_gather %parallel_loop3A_170[%parallel_loop3A_178] in [0] : vector<16xf32>, vector<16xi32> -> vector<16xf32>
        %parallel_loop3A_180 = arith.constant 0 : i32
        %parallel_loop3A_181 = vector.broadcast %parallel_loop3A_180 : i32 to vector<16xi32>
        %parallel_loop3A_182 = arith.cmpi eq, %iota3A, %parallel_loop3A_181 : vector<16xi32>
        %parallel_loop3A_183 = arith.constant 0.000000e+00 : f32
        %parallel_loop3A_184 = vector.broadcast %parallel_loop3A_183 : f32 to vector<16xf32>
        %parallel_loop3A_185 = arith.select %parallel_loop3A_182, %parallel_loop3A_184, %parallel_loop3A_179 : vector<16xi1>, vector<16xf32>
        %parallel_loop3A_186 = arith.subf %parallel_loop3A_162, %parallel_loop3A_185 : vector<16xf32>
        tpu.vector_store_idx %arg7[%parallel_loop3A_151], %parallel_loop3A_186 masked %parallel_loop3A_164 {add = true} : memref<4096xf32, #tpu.memory_space<vmem>>[vector<16xi32>], vector<16xf32>, vector<16xi1>
      } {sc.loop_unroll_factor = 16 : i64, sc.parallel_access}
      %mul3A_94 = arith.constant 2 : i32
      %mul3A_95 = arith.muli %scan3A_52, %mul3A_94 : i32
      %add3A_96 = arith.constant 1 : i32
      %add3A_97 = arith.addi %mul3A_95, %add3A_96 : i32
      %add3A_98 = arith.constant 1 : i32
      %add3A_99 = arith.addi %add3A_97, %add3A_98 : i32
      %lt3A_100 = arith.constant 8 : i32
      %lt3A_101 = arith.cmpi slt, %add3A_99, %lt3A_100 : i32
      %convert_element_type3A_102 = arith.extui %lt3A_101 : i1 to i32
      %cond3A_103 = arith.constant 0 : i32
      %cond3A_104 = arith.cmpi ne, %convert_element_type3A_102, %cond3A_103 : i32
      scf.if %cond3A_104 {
        %add3A_139 = arith.constant 1 : i32
        %add3A_140 = arith.addi %add3A_97, %add3A_139 : i32
        %mul3A_141 = arith.constant 16384 : i32
        %mul3A_142 = arith.muli %add3A_140, %mul3A_141 : i32
        %add3A_143 = arith.addi %mul3A_5, %mul3A_142 : i32
        %multiple_of3A_144 = tpu.assume_multiple %add3A_143, 16384 : i32
        %dma_start3A_145 = arith.constant 0 : i32
        %dma_start3A_146 = arith.constant 0 : i32
        %dma_start3A_147 = arith.constant 0 : i32
        %dma_start3A_148 = arith.constant 0 : i32
        %dma_start3A_149 = tpu.memref_slice %arg5[%dma_start3A_145, %dma_start3A_148] : memref<2x16384xf32, #tpu.memory_space<vmem>> -> memref<1x16384xf32, #tpu.memory_space<vmem>>
        %dma_start3A_150 = tpu.memref_squeeze %dma_start3A_149 : memref<1x16384xf32, #tpu.memory_space<vmem>> -> memref<16384xf32, #tpu.memory_space<vmem>>
        %dma_start3A_151 = tpu.memref_slice %arg2[%multiple_of3A_144] : memref<4194304xf32, #tpu.memory_space<hbm>> -> memref<16384xf32, #tpu.memory_space<hbm>>
        %dma_start3A_152 = tpu.memref_slice %arg10[%dma_start3A_146, %dma_start3A_147] : memref<2x2x!tpu.dma_semaphore, #tpu.memory_space<semaphore_mem>> -> memref<1x1x!tpu.dma_semaphore, #tpu.memory_space<semaphore_mem>>
        %dma_start3A_153 = tpu.memref_squeeze %dma_start3A_152 : memref<1x1x!tpu.dma_semaphore, #tpu.memory_space<semaphore_mem>> -> memref<!tpu.dma_semaphore, #tpu.memory_space<semaphore_mem>>
        %dma_start3A_154 = arith.constant 0 : i32
        %dma_start3A_155 = tpu.memref_slice %arg5[%dma_start3A_145, %dma_start3A_154] : memref<2x16384xf32, #tpu.memory_space<vmem>> -> memref<1x16384xf32, #tpu.memory_space<vmem>>
        %dma_start3A_156 = tpu.memref_squeeze %dma_start3A_155 : memref<1x16384xf32, #tpu.memory_space<vmem>> -> memref<16384xf32, #tpu.memory_space<vmem>>
        %dma_start3A_157 = tpu.memref_slice %arg2[%multiple_of3A_144] : memref<4194304xf32, #tpu.memory_space<hbm>> -> memref<16384xf32, #tpu.memory_space<hbm>>
        tpu.enqueue_dma source(%dma_start3A_157 : memref<16384xf32, #tpu.memory_space<hbm>>) target(%dma_start3A_156 : memref<16384xf32, #tpu.memory_space<vmem>>) target_semaphore(%dma_start3A_153 : memref<!tpu.dma_semaphore, #tpu.memory_space<semaphore_mem>>)
        %dma_start3A_158 = arith.constant 0 : i32
        %dma_start3A_159 = arith.constant 0 : i32
        %dma_start3A_160 = arith.constant 1 : i32
        %dma_start3A_161 = arith.constant 0 : i32
        %dma_start3A_162 = tpu.memref_slice %arg6[%dma_start3A_158, %dma_start3A_161] : memref<2x16400xi32, #tpu.memory_space<vmem>> -> memref<1x16384xi32, #tpu.memory_space<vmem>>
        %dma_start3A_163 = tpu.memref_squeeze %dma_start3A_162 : memref<1x16384xi32, #tpu.memory_space<vmem>> -> memref<16384xi32, #tpu.memory_space<vmem>>
        %dma_start3A_164 = tpu.memref_slice %arg3[%multiple_of3A_144] : memref<4194304xi32, #tpu.memory_space<hbm>> -> memref<16384xi32, #tpu.memory_space<hbm>>
        %dma_start3A_165 = tpu.memref_slice %arg10[%dma_start3A_159, %dma_start3A_160] : memref<2x2x!tpu.dma_semaphore, #tpu.memory_space<semaphore_mem>> -> memref<1x1x!tpu.dma_semaphore, #tpu.memory_space<semaphore_mem>>
        %dma_start3A_166 = tpu.memref_squeeze %dma_start3A_165 : memref<1x1x!tpu.dma_semaphore, #tpu.memory_space<semaphore_mem>> -> memref<!tpu.dma_semaphore, #tpu.memory_space<semaphore_mem>>
        %dma_start3A_167 = arith.constant 0 : i32
        %dma_start3A_168 = tpu.memref_slice %arg6[%dma_start3A_158, %dma_start3A_167] : memref<2x16400xi32, #tpu.memory_space<vmem>> -> memref<1x16384xi32, #tpu.memory_space<vmem>>
        %dma_start3A_169 = tpu.memref_squeeze %dma_start3A_168 : memref<1x16384xi32, #tpu.memory_space<vmem>> -> memref<16384xi32, #tpu.memory_space<vmem>>
        %dma_start3A_170 = tpu.memref_slice %arg3[%multiple_of3A_144] : memref<4194304xi32, #tpu.memory_space<hbm>> -> memref<16384xi32, #tpu.memory_space<hbm>>
        tpu.enqueue_dma source(%dma_start3A_170 : memref<16384xi32, #tpu.memory_space<hbm>>) target(%dma_start3A_169 : memref<16384xi32, #tpu.memory_space<vmem>>) target_semaphore(%dma_start3A_166 : memref<!tpu.dma_semaphore, #tpu.memory_space<semaphore_mem>>)
      } else {
      }
      %mul3A_105 = arith.constant 16384 : i32
      %mul3A_106 = arith.muli %add3A_97, %mul3A_105 : i32
      %add3A_107 = arith.addi %mul3A_5, %mul3A_106 : i32
      %multiple_of3A_108 = tpu.assume_multiple %add3A_107, 16384 : i32
      %dma_wait3A_109 = arith.constant 1 : i32
      %dma_wait3A_110 = arith.constant 1 : i32
      %dma_wait3A_111 = arith.constant 0 : i32
      %dma_wait3A_112 = arith.constant 0 : i32
      %dma_wait3A_113 = tpu.memref_slice %arg5[%dma_wait3A_109, %dma_wait3A_112] : memref<2x16384xf32, #tpu.memory_space<vmem>> -> memref<1x16384xf32, #tpu.memory_space<vmem>>
      %dma_wait3A_114 = tpu.memref_squeeze %dma_wait3A_113 : memref<1x16384xf32, #tpu.memory_space<vmem>> -> memref<16384xf32, #tpu.memory_space<vmem>>
      %dma_wait3A_115 = tpu.memref_slice %arg2[%multiple_of3A_108] : memref<4194304xf32, #tpu.memory_space<hbm>> -> memref<16384xf32, #tpu.memory_space<hbm>>
      %dma_wait3A_116 = tpu.memref_slice %arg10[%dma_wait3A_110, %dma_wait3A_111] : memref<2x2x!tpu.dma_semaphore, #tpu.memory_space<semaphore_mem>> -> memref<1x1x!tpu.dma_semaphore, #tpu.memory_space<semaphore_mem>>
      %dma_wait3A_117 = tpu.memref_squeeze %dma_wait3A_116 : memref<1x1x!tpu.dma_semaphore, #tpu.memory_space<semaphore_mem>> -> memref<!tpu.dma_semaphore, #tpu.memory_space<semaphore_mem>>
      %dma_wait3A_118 = arith.constant 0 : i32
      %dma_wait3A_119 = tpu.memref_slice %arg5[%dma_wait3A_109, %dma_wait3A_118] : memref<2x16384xf32, #tpu.memory_space<vmem>> -> memref<1x16384xf32, #tpu.memory_space<vmem>>
      %dma_wait3A_120 = tpu.memref_squeeze %dma_wait3A_119 : memref<1x16384xf32, #tpu.memory_space<vmem>> -> memref<16384xf32, #tpu.memory_space<vmem>>
      %dma_wait3A_121 = tpu.memref_slice %arg2[%multiple_of3A_108] : memref<4194304xf32, #tpu.memory_space<hbm>> -> memref<16384xf32, #tpu.memory_space<hbm>>
      tpu.wait_dma2 semaphore(%dma_wait3A_117 : memref<!tpu.dma_semaphore, #tpu.memory_space<semaphore_mem>>) src(%dma_wait3A_121 : memref<16384xf32, #tpu.memory_space<hbm>>) dst(%dma_wait3A_120 : memref<16384xf32, #tpu.memory_space<vmem>>)
      %dma_wait3A_122 = arith.constant 1 : i32
      %dma_wait3A_123 = arith.constant 1 : i32
      %dma_wait3A_124 = arith.constant 1 : i32
      %dma_wait3A_125 = arith.constant 0 : i32
      %dma_wait3A_126 = tpu.memref_slice %arg6[%dma_wait3A_122, %dma_wait3A_125] : memref<2x16400xi32, #tpu.memory_space<vmem>> -> memref<1x16384xi32, #tpu.memory_space<vmem>>
      %dma_wait3A_127 = tpu.memref_squeeze %dma_wait3A_126 : memref<1x16384xi32, #tpu.memory_space<vmem>> -> memref<16384xi32, #tpu.memory_space<vmem>>
      %dma_wait3A_128 = tpu.memref_slice %arg3[%multiple_of3A_108] : memref<4194304xi32, #tpu.memory_space<hbm>> -> memref<16384xi32, #tpu.memory_space<hbm>>
      %dma_wait3A_129 = tpu.memref_slice %arg10[%dma_wait3A_123, %dma_wait3A_124] : memref<2x2x!tpu.dma_semaphore, #tpu.memory_space<semaphore_mem>> -> memref<1x1x!tpu.dma_semaphore, #tpu.memory_space<semaphore_mem>>
      %dma_wait3A_130 = tpu.memref_squeeze %dma_wait3A_129 : memref<1x1x!tpu.dma_semaphore, #tpu.memory_space<semaphore_mem>> -> memref<!tpu.dma_semaphore, #tpu.memory_space<semaphore_mem>>
      %dma_wait3A_131 = arith.constant 0 : i32
      %dma_wait3A_132 = tpu.memref_slice %arg6[%dma_wait3A_122, %dma_wait3A_131] : memref<2x16400xi32, #tpu.memory_space<vmem>> -> memref<1x16384xi32, #tpu.memory_space<vmem>>
      %dma_wait3A_133 = tpu.memref_squeeze %dma_wait3A_132 : memref<1x16384xi32, #tpu.memory_space<vmem>> -> memref<16384xi32, #tpu.memory_space<vmem>>
      %dma_wait3A_134 = tpu.memref_slice %arg3[%multiple_of3A_108] : memref<4194304xi32, #tpu.memory_space<hbm>> -> memref<16384xi32, #tpu.memory_space<hbm>>
      tpu.wait_dma2 semaphore(%dma_wait3A_130 : memref<!tpu.dma_semaphore, #tpu.memory_space<semaphore_mem>>) src(%dma_wait3A_134 : memref<16384xi32, #tpu.memory_space<hbm>>) dst(%dma_wait3A_133 : memref<16384xi32, #tpu.memory_space<vmem>>)
      %parallel_loop3A_135 = arith.constant 0 : i32
      %parallel_loop3A_136 = arith.constant 1024 : i32
      %parallel_loop3A_137 = arith.constant 1 : i32
      scf.for %parallel_loop3A_139 = %parallel_loop3A_135 to %parallel_loop3A_136 step %parallel_loop3A_137  : i32 {
        %parallel_loop3A_140 = arith.constant 16 : i32
        %parallel_loop3A_141 = arith.muli %parallel_loop3A_139, %parallel_loop3A_140 : i32
        %parallel_loop3A_142 = arith.constant 1 : i32
        %parallel_loop3A_143 = arith.index_cast %parallel_loop3A_142 : i32 to index
        %parallel_loop3A_144 = arith.index_cast %parallel_loop3A_141 : i32 to index
        %parallel_loop3A_145 = tpu.vector_load %arg5[%parallel_loop3A_143, %parallel_loop3A_144] {strides = array<i32>} : memref<2x16384xf32, #tpu.memory_space<vmem>>, vector<16xf32>,
        %parallel_loop3A_146 = arith.constant 16 : i32
        %parallel_loop3A_147 = arith.muli %parallel_loop3A_139, %parallel_loop3A_146 : i32
        %parallel_loop3A_148 = arith.constant 1 : i32
        %parallel_loop3A_149 = arith.index_cast %parallel_loop3A_148 : i32 to index
        %parallel_loop3A_150 = arith.index_cast %parallel_loop3A_147 : i32 to index
        %parallel_loop3A_151 = tpu.vector_load %arg6[%parallel_loop3A_149, %parallel_loop3A_150] {strides = array<i32>} : memref<2x16400xi32, #tpu.memory_space<vmem>>, vector<16xi32>,
        %parallel_loop3A_152 = arith.constant 16 : i32
        %parallel_loop3A_153 = arith.muli %parallel_loop3A_139, %parallel_loop3A_152 : i32
        %parallel_loop3A_154 = arith.constant 1 : i32
        %parallel_loop3A_155 = arith.addi %parallel_loop3A_153, %parallel_loop3A_154 : i32
        %parallel_loop3A_156 = arith.constant 1 : i32
        %parallel_loop3A_157 = arith.index_cast %parallel_loop3A_156 : i32 to index
        %parallel_loop3A_158 = arith.index_cast %parallel_loop3A_155 : i32 to index
        %parallel_loop3A_159 = tpu.vector_load %arg6[%parallel_loop3A_157, %parallel_loop3A_158] {strides = array<i32>} : memref<2x16400xi32, #tpu.memory_space<vmem>>, vector<16xi32>,
        %parallel_loop3A_160 = arith.constant true
        %parallel_loop3A_161 = vector.broadcast %parallel_loop3A_160 : i1 to vector<16xi1>
        %parallel_loop3A_162 = tpu.scan <sum>, %parallel_loop3A_145 masked %parallel_loop3A_161 : vector<16xf32>, vector<16xi1> -> vector<16xf32>
        %parallel_loop3A_163 = arith.cmpi ne, %parallel_loop3A_151, %parallel_loop3A_159 : vector<16xi32>
        %parallel_loop3A_164 = arith.ori %parallel_loop3A_163, %eq3A_7 : vector<16xi1>
        %parallel_loop3A_165 = arith.constant 0.000000e+00 : f32
        %parallel_loop3A_166 = vector.broadcast %parallel_loop3A_165 : f32 to vector<16xf32>
        %parallel_loop3A_167 = arith.select %parallel_loop3A_164, %parallel_loop3A_162, %parallel_loop3A_166 : vector<16xi1>, vector<16xf32>
        %parallel_loop3A_168 = arith.constant true
        %parallel_loop3A_169 = vector.broadcast %parallel_loop3A_168 : i1 to vector<16xi1>
        %parallel_loop3A_170 = tpu.scan <max>, %parallel_loop3A_167 masked %parallel_loop3A_169 : vector<16xf32>, vector<16xi1> -> vector<16xf32>
        %parallel_loop3A_171 = arith.constant 1 : i32
        %parallel_loop3A_172 = vector.broadcast %parallel_loop3A_171 : i32 to vector<16xi32>
        %parallel_loop3A_173 = arith.subi %iota3A, %parallel_loop3A_172 : vector<16xi32>
        %parallel_loop3A_174 = arith.constant 0 : i32
        %parallel_loop3A_175 = vector.broadcast %parallel_loop3A_174 : i32 to vector<16xi32>
        %parallel_loop3A_176 = arith.maxsi %parallel_loop3A_173, %parallel_loop3A_175 : vector<16xi32>
        %parallel_loop3A_177 = vector.shape_cast %parallel_loop3A_176 : vector<16xi32> to vector<16x1xi32>
        %parallel_loop3A_178 = vector.shape_cast %parallel_loop3A_177 : vector<16x1xi32> to vector<16xi32>
        %parallel_loop3A_179 = tpu.dynamic_gather %parallel_loop3A_170[%parallel_loop3A_178] in [0] : vector<16xf32>, vector<16xi32> -> vector<16xf32>
        %parallel_loop3A_180 = arith.constant 0 : i32
        %parallel_loop3A_181 = vector.broadcast %parallel_loop3A_180 : i32 to vector<16xi32>
        %parallel_loop3A_182 = arith.cmpi eq, %iota3A, %parallel_loop3A_181 : vector<16xi32>
        %parallel_loop3A_183 = arith.constant 0.000000e+00 : f32
        %parallel_loop3A_184 = vector.broadcast %parallel_loop3A_183 : f32 to vector<16xf32>
        %parallel_loop3A_185 = arith.select %parallel_loop3A_182, %parallel_loop3A_184, %parallel_loop3A_179 : vector<16xi1>, vector<16xf32>
        %parallel_loop3A_186 = arith.subf %parallel_loop3A_162, %parallel_loop3A_185 : vector<16xf32>
        tpu.vector_store_idx %arg7[%parallel_loop3A_151], %parallel_loop3A_186 masked %parallel_loop3A_164 {add = true} : memref<4096xf32, #tpu.memory_space<vmem>>[vector<16xi32>], vector<16xf32>, vector<16xi1>
      } {sc.loop_unroll_factor = 16 : i64, sc.parallel_access}
      %scan3A_138 = arith.constant 0 : i32
      scf.yield %scan3A_138 : i32
    }
    %scan3A_40 = arith.constant 4 : i32
    "tpu.region"() ({
      %run_scoped3A_52 = tpu.sem_alloc : memref<!tpu.dma_semaphore, #tpu.memory_space<semaphore_mem>>
      %dma_start3A_53 = arith.constant 0 : i32
      %dma_start3A_54 = tpu.memref_slice %arg9[%arg1, %dma_start3A_53] : memref<16x4096xf32, #tpu.memory_space<vmem_shared>> -> memref<1x4096xf32, #tpu.memory_space<vmem_shared>>
      %dma_start3A_55 = tpu.memref_squeeze %dma_start3A_54 : memref<1x4096xf32, #tpu.memory_space<vmem_shared>> -> memref<4096xf32, #tpu.memory_space<vmem_shared>>
      %dma_start3A_56 = arith.constant 0 : i32
      %dma_start3A_57 = tpu.memref_slice %arg9[%arg1, %dma_start3A_56] : memref<16x4096xf32, #tpu.memory_space<vmem_shared>> -> memref<1x4096xf32, #tpu.memory_space<vmem_shared>>
      %dma_start3A_58 = tpu.memref_squeeze %dma_start3A_57 : memref<1x4096xf32, #tpu.memory_space<vmem_shared>> -> memref<4096xf32, #tpu.memory_space<vmem_shared>>
      tpu.enqueue_dma source(%arg7 : memref<4096xf32, #tpu.memory_space<vmem>>) target(%dma_start3A_58 : memref<4096xf32, #tpu.memory_space<vmem_shared>>) target_semaphore(%run_scoped3A_52 : memref<!tpu.dma_semaphore, #tpu.memory_space<semaphore_mem>>)
      %dma_wait3A = arith.constant 0 : i32
      %dma_wait3A_59 = tpu.memref_slice %arg9[%arg1, %dma_wait3A] : memref<16x4096xf32, #tpu.memory_space<vmem_shared>> -> memref<1x4096xf32, #tpu.memory_space<vmem_shared>>
      %dma_wait3A_60 = tpu.memref_squeeze %dma_wait3A_59 : memref<1x4096xf32, #tpu.memory_space<vmem_shared>> -> memref<4096xf32, #tpu.memory_space<vmem_shared>>
      %dma_wait3A_61 = arith.constant 0 : i32
      %dma_wait3A_62 = tpu.memref_slice %arg9[%arg1, %dma_wait3A_61] : memref<16x4096xf32, #tpu.memory_space<vmem_shared>> -> memref<1x4096xf32, #tpu.memory_space<vmem_shared>>
      %dma_wait3A_63 = tpu.memref_squeeze %dma_wait3A_62 : memref<1x4096xf32, #tpu.memory_space<vmem_shared>> -> memref<4096xf32, #tpu.memory_space<vmem_shared>>
      tpu.wait_dma2 semaphore(%run_scoped3A_52 : memref<!tpu.dma_semaphore, #tpu.memory_space<semaphore_mem>>) src(%arg7 : memref<4096xf32, #tpu.memory_space<vmem>>) dst(%dma_wait3A_63 : memref<4096xf32, #tpu.memory_space<vmem_shared>>)
      tpu.yield
    }) : () -> ()
    %barrier3A = arith.constant 0 : index
    tpu.barrier barrier_id(%barrier3A)
    %mul3A_41 = arith.constant 256 : i32
    %mul3A_42 = arith.muli %arg1, %mul3A_41 : i32
    "tpu.region"() ({
      %run_scoped3A_52 = tpu.sem_alloc : memref<!tpu.dma_semaphore, #tpu.memory_space<semaphore_mem>>
      %dma_start3A_53 = arith.constant 0 : i32
      %dma_start3A_54 = tpu.memref_slice %arg9[%dma_start3A_53, %mul3A_42] : memref<16x4096xf32, #tpu.memory_space<vmem_shared>> -> memref<16x256xf32, #tpu.memory_space<vmem_shared>>
      %dma_start3A_55 = arith.constant 0 : i32
      %dma_start3A_56 = tpu.memref_slice %arg9[%dma_start3A_55, %mul3A_42] : memref<16x4096xf32, #tpu.memory_space<vmem_shared>> -> memref<16x256xf32, #tpu.memory_space<vmem_shared>>
      tpu.enqueue_dma source(%dma_start3A_56 : memref<16x256xf32, #tpu.memory_space<vmem_shared>>) target(%arg8 : memref<16x256xf32, #tpu.memory_space<vmem>>) target_semaphore(%run_scoped3A_52 : memref<!tpu.dma_semaphore, #tpu.memory_space<semaphore_mem>>)
      %dma_wait3A = arith.constant 0 : i32
      %dma_wait3A_57 = tpu.memref_slice %arg9[%dma_wait3A, %mul3A_42] : memref<16x4096xf32, #tpu.memory_space<vmem_shared>> -> memref<16x256xf32, #tpu.memory_space<vmem_shared>>
      %dma_wait3A_58 = arith.constant 0 : i32
      %dma_wait3A_59 = tpu.memref_slice %arg9[%dma_wait3A_58, %mul3A_42] : memref<16x4096xf32, #tpu.memory_space<vmem_shared>> -> memref<16x256xf32, #tpu.memory_space<vmem_shared>>
      tpu.wait_dma2 semaphore(%run_scoped3A_52 : memref<!tpu.dma_semaphore, #tpu.memory_space<semaphore_mem>>) src(%dma_wait3A_59 : memref<16x256xf32, #tpu.memory_space<vmem_shared>>) dst(%arg8 : memref<16x256xf32, #tpu.memory_space<vmem>>)
      tpu.yield
    }) : () -> ()
    %scan3A_43 = arith.constant 0 : i32
    %scan3A_44 = arith.constant 0 : i32
    %scan3A_45 = arith.constant 16 : i32
    %scan3A_46 = arith.addi %scan3A_44, %scan3A_45 : i32
    %scan3A_47 = arith.constant 1 : i32
    %scan3A_48 = scf.for %scan3A_52 = %scan3A_44 to %scan3A_46 step %scan3A_47 iter_args(%scan3A_53 = %scan3A_43) -> (i32)  : i32 {
      %mul3A_54 = arith.constant 16 : i32
      %mul3A_55 = arith.muli %scan3A_52, %mul3A_54 : i32
      %get3A = arith.constant 0 : i32
      %get3A_56 = arith.index_cast %get3A : i32 to index
      %get3A_57 = arith.index_cast %mul3A_55 : i32 to index
      %get3A_58 = tpu.vector_load %arg8[%get3A_56, %get3A_57] {strides = array<i32>} : memref<16x256xf32, #tpu.memory_space<vmem>>, vector<16xf32>,
      %mul3A_59 = arith.constant 16 : i32
      %mul3A_60 = arith.muli %scan3A_52, %mul3A_59 : i32
      %get3A_61 = arith.constant 1 : i32
      %get3A_62 = arith.index_cast %get3A_61 : i32 to index
      %get3A_63 = arith.index_cast %mul3A_60 : i32 to index
      %get3A_64 = tpu.vector_load %arg8[%get3A_62, %get3A_63] {strides = array<i32>} : memref<16x256xf32, #tpu.memory_space<vmem>>, vector<16xf32>,
      %add3A_65 = arith.addf %get3A_58, %get3A_64 : vector<16xf32>
      %mul3A_66 = arith.constant 16 : i32
      %mul3A_67 = arith.muli %scan3A_52, %mul3A_66 : i32
      %get3A_68 = arith.constant 2 : i32
      %get3A_69 = arith.index_cast %get3A_68 : i32 to index
      %get3A_70 = arith.index_cast %mul3A_67 : i32 to index
      %get3A_71 = tpu.vector_load %arg8[%get3A_69, %get3A_70] {strides = array<i32>} : memref<16x256xf32, #tpu.memory_space<vmem>>, vector<16xf32>,
      %add3A_72 = arith.addf %add3A_65, %get3A_71 : vector<16xf32>
      %mul3A_73 = arith.constant 16 : i32
      %mul3A_74 = arith.muli %scan3A_52, %mul3A_73 : i32
      %get3A_75 = arith.constant 3 : i32
      %get3A_76 = arith.index_cast %get3A_75 : i32 to index
      %get3A_77 = arith.index_cast %mul3A_74 : i32 to index
      %get3A_78 = tpu.vector_load %arg8[%get3A_76, %get3A_77] {strides = array<i32>} : memref<16x256xf32, #tpu.memory_space<vmem>>, vector<16xf32>,
      %add3A_79 = arith.addf %add3A_72, %get3A_78 : vector<16xf32>
      %mul3A_80 = arith.constant 16 : i32
      %mul3A_81 = arith.muli %scan3A_52, %mul3A_80 : i32
      %get3A_82 = arith.constant 4 : i32
      %get3A_83 = arith.index_cast %get3A_82 : i32 to index
      %get3A_84 = arith.index_cast %mul3A_81 : i32 to index
      %get3A_85 = tpu.vector_load %arg8[%get3A_83, %get3A_84] {strides = array<i32>} : memref<16x256xf32, #tpu.memory_space<vmem>>, vector<16xf32>,
      %add3A_86 = arith.addf %add3A_79, %get3A_85 : vector<16xf32>
      %mul3A_87 = arith.constant 16 : i32
      %mul3A_88 = arith.muli %scan3A_52, %mul3A_87 : i32
      %get3A_89 = arith.constant 5 : i32
      %get3A_90 = arith.index_cast %get3A_89 : i32 to index
      %get3A_91 = arith.index_cast %mul3A_88 : i32 to index
      %get3A_92 = tpu.vector_load %arg8[%get3A_90, %get3A_91] {strides = array<i32>} : memref<16x256xf32, #tpu.memory_space<vmem>>, vector<16xf32>,
      %add3A_93 = arith.addf %add3A_86, %get3A_92 : vector<16xf32>
      %mul3A_94 = arith.constant 16 : i32
      %mul3A_95 = arith.muli %scan3A_52, %mul3A_94 : i32
      %get3A_96 = arith.constant 6 : i32
      %get3A_97 = arith.index_cast %get3A_96 : i32 to index
      %get3A_98 = arith.index_cast %mul3A_95 : i32 to index
      %get3A_99 = tpu.vector_load %arg8[%get3A_97, %get3A_98] {strides = array<i32>} : memref<16x256xf32, #tpu.memory_space<vmem>>, vector<16xf32>,
      %add3A_100 = arith.addf %add3A_93, %get3A_99 : vector<16xf32>
      %mul3A_101 = arith.constant 16 : i32
      %mul3A_102 = arith.muli %scan3A_52, %mul3A_101 : i32
      %get3A_103 = arith.constant 7 : i32
      %get3A_104 = arith.index_cast %get3A_103 : i32 to index
      %get3A_105 = arith.index_cast %mul3A_102 : i32 to index
      %get3A_106 = tpu.vector_load %arg8[%get3A_104, %get3A_105] {strides = array<i32>} : memref<16x256xf32, #tpu.memory_space<vmem>>, vector<16xf32>,
      %add3A_107 = arith.addf %add3A_100, %get3A_106 : vector<16xf32>
      %mul3A_108 = arith.constant 16 : i32
      %mul3A_109 = arith.muli %scan3A_52, %mul3A_108 : i32
      %get3A_110 = arith.constant 8 : i32
      %get3A_111 = arith.index_cast %get3A_110 : i32 to index
      %get3A_112 = arith.index_cast %mul3A_109 : i32 to index
      %get3A_113 = tpu.vector_load %arg8[%get3A_111, %get3A_112] {strides = array<i32>} : memref<16x256xf32, #tpu.memory_space<vmem>>, vector<16xf32>,
      %add3A_114 = arith.addf %add3A_107, %get3A_113 : vector<16xf32>
      %mul3A_115 = arith.constant 16 : i32
      %mul3A_116 = arith.muli %scan3A_52, %mul3A_115 : i32
      %get3A_117 = arith.constant 9 : i32
      %get3A_118 = arith.index_cast %get3A_117 : i32 to index
      %get3A_119 = arith.index_cast %mul3A_116 : i32 to index
      %get3A_120 = tpu.vector_load %arg8[%get3A_118, %get3A_119] {strides = array<i32>} : memref<16x256xf32, #tpu.memory_space<vmem>>, vector<16xf32>,
      %add3A_121 = arith.addf %add3A_114, %get3A_120 : vector<16xf32>
      %mul3A_122 = arith.constant 16 : i32
      %mul3A_123 = arith.muli %scan3A_52, %mul3A_122 : i32
      %get3A_124 = arith.constant 10 : i32
      %get3A_125 = arith.index_cast %get3A_124 : i32 to index
      %get3A_126 = arith.index_cast %mul3A_123 : i32 to index
      %get3A_127 = tpu.vector_load %arg8[%get3A_125, %get3A_126] {strides = array<i32>} : memref<16x256xf32, #tpu.memory_space<vmem>>, vector<16xf32>,
      %add3A_128 = arith.addf %add3A_121, %get3A_127 : vector<16xf32>
      %mul3A_129 = arith.constant 16 : i32
      %mul3A_130 = arith.muli %scan3A_52, %mul3A_129 : i32
      %get3A_131 = arith.constant 11 : i32
      %get3A_132 = arith.index_cast %get3A_131 : i32 to index
      %get3A_133 = arith.index_cast %mul3A_130 : i32 to index
      %get3A_134 = tpu.vector_load %arg8[%get3A_132, %get3A_133] {strides = array<i32>} : memref<16x256xf32, #tpu.memory_space<vmem>>, vector<16xf32>,
      %add3A_135 = arith.addf %add3A_128, %get3A_134 : vector<16xf32>
      %mul3A_136 = arith.constant 16 : i32
      %mul3A_137 = arith.muli %scan3A_52, %mul3A_136 : i32
      %get3A_138 = arith.constant 12 : i32
      %get3A_139 = arith.index_cast %get3A_138 : i32 to index
      %get3A_140 = arith.index_cast %mul3A_137 : i32 to index
      %get3A_141 = tpu.vector_load %arg8[%get3A_139, %get3A_140] {strides = array<i32>} : memref<16x256xf32, #tpu.memory_space<vmem>>, vector<16xf32>,
      %add3A_142 = arith.addf %add3A_135, %get3A_141 : vector<16xf32>
      %mul3A_143 = arith.constant 16 : i32
      %mul3A_144 = arith.muli %scan3A_52, %mul3A_143 : i32
      %get3A_145 = arith.constant 13 : i32
      %get3A_146 = arith.index_cast %get3A_145 : i32 to index
      %get3A_147 = arith.index_cast %mul3A_144 : i32 to index
      %get3A_148 = tpu.vector_load %arg8[%get3A_146, %get3A_147] {strides = array<i32>} : memref<16x256xf32, #tpu.memory_space<vmem>>, vector<16xf32>,
      %add3A_149 = arith.addf %add3A_142, %get3A_148 : vector<16xf32>
      %mul3A_150 = arith.constant 16 : i32
      %mul3A_151 = arith.muli %scan3A_52, %mul3A_150 : i32
      %get3A_152 = arith.constant 14 : i32
      %get3A_153 = arith.index_cast %get3A_152 : i32 to index
      %get3A_154 = arith.index_cast %mul3A_151 : i32 to index
      %get3A_155 = tpu.vector_load %arg8[%get3A_153, %get3A_154] {strides = array<i32>} : memref<16x256xf32, #tpu.memory_space<vmem>>, vector<16xf32>,
      %add3A_156 = arith.addf %add3A_149, %get3A_155 : vector<16xf32>
      %mul3A_157 = arith.constant 16 : i32
      %mul3A_158 = arith.muli %scan3A_52, %mul3A_157 : i32
      %get3A_159 = arith.constant 15 : i32
      %get3A_160 = arith.index_cast %get3A_159 : i32 to index
      %get3A_161 = arith.index_cast %mul3A_158 : i32 to index
      %get3A_162 = tpu.vector_load %arg8[%get3A_160, %get3A_161] {strides = array<i32>} : memref<16x256xf32, #tpu.memory_space<vmem>>, vector<16xf32>,
      %add3A_163 = arith.addf %add3A_156, %get3A_162 : vector<16xf32>
      %mul3A_164 = arith.constant 16 : i32
      %mul3A_165 = arith.muli %scan3A_52, %mul3A_164 : i32
      %swap3A = arith.constant 0 : i32
      %swap3A_166 = arith.index_cast %swap3A : i32 to index
      %swap3A_167 = arith.index_cast %mul3A_165 : i32 to index
      %swap3A_168 = tpu.vector_load %arg8[%swap3A_166, %swap3A_167] {strides = array<i32>} : memref<16x256xf32, #tpu.memory_space<vmem>>, vector<16xf32>,
      tpu.vector_store %arg8[%swap3A_166, %swap3A_167], %add3A_163 {strides = array<i32>} : memref<16x256xf32, #tpu.memory_space<vmem>>, vector<16xf32>,
      %scan3A_169 = arith.constant 0 : i32
      scf.yield %scan3A_169 : i32
    }
    %scan3A_49 = arith.constant 16 : i32
    %mul3A_50 = arith.constant 256 : i32
    %mul3A_51 = arith.muli %arg1, %mul3A_50 : i32
    %run_scoped3A = arith.constant 0 : i32
    "tpu.region"() ({
      %run_scoped3A_52 = tpu.sem_alloc : memref<!tpu.dma_semaphore, #tpu.memory_space<semaphore_mem>>
      %dma_start3A_53 = arith.constant 0 : i32
      %dma_start3A_54 = tpu.memref_slice %arg8[%run_scoped3A, %dma_start3A_53] : memref<16x256xf32, #tpu.memory_space<vmem>> -> memref<1x256xf32, #tpu.memory_space<vmem>>
      %dma_start3A_55 = tpu.memref_squeeze %dma_start3A_54 : memref<1x256xf32, #tpu.memory_space<vmem>> -> memref<256xf32, #tpu.memory_space<vmem>>
      %dma_start3A_56 = tpu.memref_slice %arg4[%arg0, %mul3A_51] : memref<2x4096xf32, #tpu.memory_space<hbm>> -> memref<1x256xf32, #tpu.memory_space<hbm>>
      %dma_start3A_57 = tpu.memref_squeeze %dma_start3A_56 : memref<1x256xf32, #tpu.memory_space<hbm>> -> memref<256xf32, #tpu.memory_space<hbm>>
      %dma_start3A_58 = tpu.memref_slice %arg4[%arg0, %mul3A_51] : memref<2x4096xf32, #tpu.memory_space<hbm>> -> memref<1x256xf32, #tpu.memory_space<hbm>>
      %dma_start3A_59 = tpu.memref_squeeze %dma_start3A_58 : memref<1x256xf32, #tpu.memory_space<hbm>> -> memref<256xf32, #tpu.memory_space<hbm>>
      %dma_start3A_60 = arith.constant 0 : i32
      %dma_start3A_61 = tpu.memref_slice %arg8[%run_scoped3A, %dma_start3A_60] : memref<16x256xf32, #tpu.memory_space<vmem>> -> memref<1x256xf32, #tpu.memory_space<vmem>>
      %dma_start3A_62 = tpu.memref_squeeze %dma_start3A_61 : memref<1x256xf32, #tpu.memory_space<vmem>> -> memref<256xf32, #tpu.memory_space<vmem>>
      tpu.enqueue_dma source(%dma_start3A_62 : memref<256xf32, #tpu.memory_space<vmem>>) target(%dma_start3A_59 : memref<256xf32, #tpu.memory_space<hbm>>) target_semaphore(%run_scoped3A_52 : memref<!tpu.dma_semaphore, #tpu.memory_space<semaphore_mem>>)
      %dma_wait3A = arith.constant 0 : i32
      %dma_wait3A_63 = tpu.memref_slice %arg8[%run_scoped3A, %dma_wait3A] : memref<16x256xf32, #tpu.memory_space<vmem>> -> memref<1x256xf32, #tpu.memory_space<vmem>>
      %dma_wait3A_64 = tpu.memref_squeeze %dma_wait3A_63 : memref<1x256xf32, #tpu.memory_space<vmem>> -> memref<256xf32, #tpu.memory_space<vmem>>
      %dma_wait3A_65 = tpu.memref_slice %arg4[%arg0, %mul3A_51] : memref<2x4096xf32, #tpu.memory_space<hbm>> -> memref<1x256xf32, #tpu.memory_space<hbm>>
      %dma_wait3A_66 = tpu.memref_squeeze %dma_wait3A_65 : memref<1x256xf32, #tpu.memory_space<hbm>> -> memref<256xf32, #tpu.memory_space<hbm>>
      %dma_wait3A_67 = tpu.memref_slice %arg4[%arg0, %mul3A_51] : memref<2x4096xf32, #tpu.memory_space<hbm>> -> memref<1x256xf32, #tpu.memory_space<hbm>>
      %dma_wait3A_68 = tpu.memref_squeeze %dma_wait3A_67 : memref<1x256xf32, #tpu.memory_space<hbm>> -> memref<256xf32, #tpu.memory_space<hbm>>
      %dma_wait3A_69 = arith.constant 0 : i32
      %dma_wait3A_70 = tpu.memref_slice %arg8[%run_scoped3A, %dma_wait3A_69] : memref<16x256xf32, #tpu.memory_space<vmem>> -> memref<1x256xf32, #tpu.memory_space<vmem>>
      %dma_wait3A_71 = tpu.memref_squeeze %dma_wait3A_70 : memref<1x256xf32, #tpu.memory_space<vmem>> -> memref<256xf32, #tpu.memory_space<vmem>>
      tpu.wait_dma2 semaphore(%run_scoped3A_52 : memref<!tpu.dma_semaphore, #tpu.memory_space<semaphore_mem>>) src(%dma_wait3A_71 : memref<256xf32, #tpu.memory_space<vmem>>) dst(%dma_wait3A_68 : memref<256xf32, #tpu.memory_space<hbm>>)
      tpu.yield
    }) : () -> ()
    return
  }
}

</mosaic_0001>

<sc_bundles>
// kernel: kernel.3.cloned.1.call-start
scs
__scs_entry_jumppad:
0x0: {  	(pc) =	sbr.rel $0x88, $3  }
0x1: {  	(tag) =	ssettag $0x0;
	lr =	simm.s32 $0x1  }
0x2: {  	[smem:$0x3F9E] =	sst lr;
	_ =	strace $0xD0000000  }
0x3: {  	_ = 	snop  }
0x4: {  	_ = 	snop  }
0x5: {  	_ = 	snop  }
0x6: {  	_ = 	snop  }
0x7: {  	_ = 	snop  }
__scs_overlays_trampoline_lowered:
0x8: {  	[smem:$0x3FAD] =	sst s0  }
0x9: {  	[smem:$0x3FAE] =	sst s1  }
0xa: {  	[smem:$0x3FAF] =	sst s2  }
0xb: {  	[smem:$0x3FB0] =	sst s3  }
0xc: {  	[smem:$0x3FB1] =	sst s4  }
0xd: {  	[smem:$0x3FB2] =	sst s5  }
0xe: {  	[smem:$0x3FB3] =	sst s6  }
0xf: {  	[smem:$0x3FB4] =	sst s7  }
0x10: {  	[smem:$0x3FB5] =	sst s8  }
0x11: {  	[smem:$0x3FB6] =	sst s9;
	s0 =	simm.s32 @!p0 $0x0  }
0x12: {  	s1 =	sld [smem:$0x3F9C];
	s0 =	simm.s32 @p0 $0x1  }
0x13: {  	[smem:$0x3FB7] =	sst s0;
	s0 =	simm.s32 @!p1 $0x0  }
0x14: {  	s2 =	sld [smem:$0x3F9B];
	s0 =	simm.s32 @p1 $0x1  }
0x15: {  	[smem:$0x3FB8] =	sst s0;
	s0 =	simm.s32 @!p2 $0x0  }
0x16: {  	s3 =	sld [smem:$0x3FDB];
	s0 =	simm.s32 @p2 $0x1  }
0x17: {  	s4 =	simm.s32 $0x1BF5;
	[smem:$0x3FBA] =	sst s0  }
0x18: {  	s0 =	sld [smem:$0x3F9D];
	_ =	swait.ge [sflag:s4], $0x0  }
0x19: {  	s7 =	sld [smem:$0x3F9E]  }
0x1a: {  	s8 =	sadd.s32 $0xFFFFE003, lr  }
0x1b: {  	s9 =	sadd.s32 $0xFFFFFEF7, lr;
	s5 =	simm.s32 $0xFFFFFFFF;
	p2 =	slt.u32 s8, $0xFFFFF086  }
0x1c: {  	p1 =	slt.u32 s9, $0xF7A;
	s5 =	simm.s32 @!p2 $0x0  }
0x1d: {  	s5 =	simm.s32 @p1 $0x1;
	p0 =	seq.s32 s7, s2  }
0x1e: {  	s7 =	smul.u32 @!p0 $0xF7A, s2;
	p2 =	seq.s32 @!p0 s5, $0x0  }
0x1f: {  	s9 =	smul.u32 $0xF7A, s1;
	s8 =	simm.s32 @!p0 $0x1BF5;
	p2 =	por !p2, p0  }
0x20: {  	[sflag:s8] =	ssyncset.s32 @!p0 $0xFFFFF086;
	s6 =	sadd.s32 @!p0 s3, s7;
	s7 =	simm.s32 @!p0 $0x108  }
0x21: {  	s3 =	sadd.s32 s3, s9;
	s6 =	sadd.s32 @!p0 $0x88, s6;
	s7 =	simm.s32 @p2 $0x1082  }
0x22: {  	[simem:s7], [sflag:s8] =	dma.local @!p0 [hbm:s6], $0xF7A  }
0x23: {  	s9 =	sor.u32 $0xD0000000, s2;
	s6 =	simm.s32 $0x108;
	_ =	swait.ge @!p0 [sflag:s8], $0x0  }
0x24: {  	s3 =	sadd.s32 $0x88, s3;
	s6 =	simm.s32 @!p1 $0x1082;
	[sflag:s4] =	ssyncset.s32 $0xFFFFF086  }
0x25: {  	[simem:s6], [sflag:s4] =	dma.local [hbm:s3], $0xF7A  }
0x26: {  	[smem:$0x3F9E] =	sst s1;
	(tag) =	ssettag s2;
	_ =	strace s9  }
0x27: {  	s1 =	sld [smem:$0x3FAE]  }
0x28: {  	s2 =	sld [smem:$0x3FAF]  }
0x29: {  	s4 =	sld [smem:$0x3FB1]  }
0x2a: {  	p0 =	seq.s32 s5, $0x0;
	s5 =	sld [smem:$0x3FB2]  }
0x2b: {  	s6 =	sld [smem:$0x3FB3]  }
0x2c: {  	s7 =	sld [smem:$0x3FB4]  }
0x2d: {  	s3 =	simm.s32 $0x108;
	s8 =	sld [smem:$0x3FB5]  }
0x2e: {  	s3 =	simm.s32 @!p0 $0x1082;
	s9 =	sld [smem:$0x3FB6]  }
0x2f: {  	lr =	sadd.s32 s0, s3;
	s0 =	sld [smem:$0x3FAD]  }
0x30: {  	s3 =	sld [smem:$0x3FB0]  }
0x31: {  	[smem:$0x3FB9] =	sst s10  }
0x32: {  	s10 =	sld [smem:$0x3FB7];
	_ =	sdelay $0x3  }
0x33: {  	p0 =	seq.s32 s10, $0x1;
	s10 =	sld [smem:$0x3FB9];
	_ =	sdelay $0x3  }
0x34: {  	[smem:$0x3FB9] =	sst s10  }
0x35: {  	s10 =	sld [smem:$0x3FB8];
	_ =	sdelay $0x3  }
0x36: {  	p1 =	seq.s32 s10, $0x1;
	s10 =	sld [smem:$0x3FB9];
	_ =	sdelay $0x3  }
0x37: {  	[smem:$0x3FB9] =	sst s10  }
0x38: {  	s10 =	sld [smem:$0x3FBA]  }
0x39: {  	_ = 	snop;
	(pc) =	sbr.ind lr, $3  }
0x3a: {  	_ = 	snop  }
0x3b: {  	_ = 	snop  }
0x3c: {  	p2 =	seq.s32 s10, $0x1;
	s10 =	sld [smem:$0x3FB9]  }
0x3d: {  	_ =	shalt  }
0x3e: {  	_ =	shalt  }
0x3f: {  	_ =	shalt  }
0x40: {  	_ =	shalt  }
0x41: {  	_ =	shalt  }
0x42: {  	_ =	shalt  }
0x43: {  	_ =	shalt  }
0x44: {  	_ =	shalt  }
0x45: {  	_ =	shalt  }
0x46: {  	_ =	shalt  }
0x47: {  	_ =	shalt  }
0x48: {  	_ =	shalt  }
0x49: {  	_ =	shalt  }
0x4a: {  	_ =	shalt  }
0x4b: {  	_ =	shalt  }
0x4c: {  	_ =	shalt  }
0x4d: {  	_ =	shalt  }
0x4e: {  	_ =	shalt  }
0x4f: {  	_ =	shalt  }
0x50: {  	_ =	shalt  }
0x51: {  	_ =	shalt  }
0x52: {  	_ =	shalt  }
0x53: {  	_ =	shalt  }
0x54: {  	_ =	shalt  }
0x55: {  	_ =	shalt  }
0x56: {  	_ =	shalt  }
0x57: {  	_ =	shalt  }
0x58: {  	_ =	shalt  }
0x59: {  	_ =	shalt  }
0x5a: {  	_ =	shalt  }
0x5b: {  	_ =	shalt  }
0x5c: {  	_ =	shalt  }
0x5d: {  	_ =	shalt  }
0x5e: {  	_ =	shalt  }
0x5f: {  	_ =	shalt  }
0x60: {  	_ =	shalt  }
0x61: {  	_ =	shalt  }
0x62: {  	_ =	shalt  }
0x63: {  	_ =	shalt  }
0x64: {  	_ =	shalt  }
0x65: {  	_ =	shalt  }
0x66: {  	_ =	shalt  }
0x67: {  	_ =	shalt  }
0x68: {  	_ =	shalt  }
0x69: {  	_ =	shalt  }
0x6a: {  	_ =	shalt  }
0x6b: {  	_ =	shalt  }
0x6c: {  	_ =	shalt  }
0x6d: {  	_ =	shalt  }
0x6e: {  	_ =	shalt  }
0x6f: {  	_ =	shalt  }
0x70: {  	_ =	shalt  }
0x71: {  	_ =	shalt  }
0x72: {  	_ =	shalt  }
0x73: {  	_ =	shalt  }
0x74: {  	_ =	shalt  }
0x75: {  	_ =	shalt  }
0x76: {  	_ =	shalt  }
0x77: {  	_ =	shalt  }
0x78: {  	_ =	shalt  }
0x79: {  	_ =	shalt  }
0x7a: {  	_ =	shalt  }
0x7b: {  	_ =	shalt  }
0x7c: {  	_ =	shalt  }
0x7d: {  	_ =	shalt  }
0x7e: {  	_ =	shalt  }
0x7f: {  	_ =	shalt  }
0x80: {  	_ =	shalt  }
0x81: {  	_ =	shalt  }
0x82: {  	_ =	shalt  }
0x83: {  	_ =	shalt  }
0x84: {  	_ =	shalt  }
0x85: {  	_ =	shalt  }
0x86: {  	_ =	shalt  }
0x87: {  	_ =	shalt  }
.Lfunc_end0:
.L_simem_size_0:
called_computation_lowered:
.L_overlay_start_0:
0x88: {  	s2 =	sld [smem:$0x3FD9]  }
0x89: {  	s3 =	sld [smem:$0x3FFE];
	_ =	sdelay $0x1  }
0x8a: {  	s1 =	srdreg.scid  }
0x8b: {  	s0 =	sand.u32 $0x1, s1  }
0x8c: {  	s14 =	sshll.u32 s0, $0xA;
	s2 =	sadd.s32 s3, s2  }
0x8d: {  	s2 =	sadd.s32 s2, s14  }
0x8e: {  	[smem:$0x3FC5] =	sst s2  }
0x8f: {  	_ = 	snop  }
0x90: {  	s2 =	sld [smem:$0x3FD0];
	_ =	sdelay $0x2  }
0x91: {  	s4 =	simm.s32 $0xA;
	s5 =	simm.s32 $0x10;
	s15 =	sld [smem:$0x3FC8]  }
0x92: {  	[smem:s5], [sflag:s4] =	dma.local [hbm:s2], $0x1  }
0x93: {  	_ =	swait.eq [sflag:s4], $0x1  }
0x94: {  	[sflag:s4] =	ssyncset.done $0x0  }
0x95: {  	[sflag:s4] =	ssyncadd.s32 $0xFFFFFFFF  }
0x96: {  	s16 =	sld [smem:$0x12];
	(tm) =	ssettm $0x1  }
0x97: {  	s17 =	sld [smem:$0x3FFB];
	_ =	sdelay $0x3  }
0x98: {  	_ =	strace s17  }
0x99: {  	s4 =	sld [smem:$0x3FFC];
	_ =	sdelay $0x3  }
0x9a: {  	_ =	strace s4  }
0x9b: {  	s4 =	sld [smem:$0x3FFD];
	_ =	sdelay $0x3  }
0x9c: {  	_ =	strace s4  }
0x9d: {  	_ =	strace $0x8FFFFFFF  }
0x9e: {  	s18 =	sld [smem:$0x3FDB];
	_ =	sdelay $0x1  }
0x9f: {  	s19 =	simm.s32 $_scs_section_size  }
0xa0: {  	s6 =	simm.s32 $_size__tile_overlayer_lowered;
	s7 =	simm.s32 $_tile_overlayer_lowered  }
0xa1: {  	s22 =	simm.s32 $0x1BFF;
	s21 =	sshll.u32 s7, $0x1;
	s4 =	sadd.s32 s19, s18  }
0xa2: {  	s8 =	simm.s32 $0x0;
	s20 =	sshll.u32 s6, $0x1;
	s6 =	sadd.s32 s21, s4  }
0xa3: {  	[timem:s8], [sflag:s22] =	dma.local [hbm:s6], s20  }
0xa4: {  	_ =	swait.ge [sflag:s22], s20  }
0xa5: {  	s5 =	ssub.s32 $0x0, s20;
	[sflag:s22] =	ssyncset.done $0x0  }
0xa6: {  	[sflag:s22] =	ssyncadd.s32 s5;
	_ =	sdelay $0x1  }
0xa7: {  	s23 =	simm.s32 $0x1B8B  }
0xa8: {  	_ =	swait.ge [sflag:s23], $0x1  }
0xa9: {  	[sflag:s23] =	ssyncset.done $0x0  }
0xaa: {  	s25 =	simm.s32 $0x1B8E;
	s24 =	sld [smem:$0x3FFE];
	[sflag:s23] =	ssyncadd.s32 $0xFFFFFFFF  }
0xab: {  	s26 =	simm.s32 $execute0_lowered;
	[smem:$0x3FD2] =	sst s25  }
0xac: {  	s6 =	sshll.u32 s26, $0x1;
	_ =	strace $0x80000046;
	[dreg:$0x1] =	wrdreg $0xFFFFFFFF  }
0xad: {  	s28 =	simm.s32 $_size_execute0_lowered;
	s4 =	sadd.s32 s4, s6;
	[dreg:$0x0] =	wrdreg $0x0  }
0xae: {  	s6 =	sshll.u32 s28, $0x1;
	[dreg:$0x2] =	wrdreg s4  }
0xaf: {  	[dreg:$0x3] =	wrdreg s6  }
0xb0: {  	[dreg:$0x4] =	wrdreg $0xC0  }
0xb1: {  	_ =	task [dreg:s8], $0x5FFFF  }
0xb2: {  	[dreg:$0x1] =	wrdreg $0xFFFFFFFF  }
0xb3: {  	[dreg:$0x0] =	wrdreg $0x60  }
0xb4: {  	[dreg:$0x2] =	wrdreg s24  }
0xb5: {  	[dreg:$0x3] =	wrdreg s15  }
0xb6: {  	[dreg:$0x4] =	wrdreg s16  }
0xb7: {  	[dreg:$0x5] =	wrdreg $0x121000  }
0xb8: {  	[dreg:$0x6] =	wrdreg $0x9  }
0xb9: {  	_ =	task.clear_ibuf [dreg:s8], $0x7FFFF;
	_ =	strace $0x90000046  }
0xba: {  	s29 =	simm.s32 $0x9;
	_ =	strace $0x80000048  }
0xbb: {  	_ =	swait.ge [sflag:s29], $0x1  }
0xbc: {  	[sflag:s29] =	ssyncadd.s32 $0xFFFFFFFF  }
0xbd: {  	_ =	strace $0x90000048  }
0xbe: {  	_ =	sfence  }
0xbf: {  	s30 =	sld [smem:$0x0];
	_ =	sdelay $0x2  }
0xc0: {  	s31 =	sshll.u32 s1, $0xD;
	s1 =	sshrl.u32 s1, $0x2  }
0xc1: {  	s3 =	sand.u32 $0x4000, s31;
	s1 =	sadd.s32 s1, s30  }
0xc2: {  	s0 =	sor.u32 s3, s0;
	s1 =	sshll.u32 s1, $0x11  }
0xc3: {  	s0 =	sor.u32 s1, s0  }
0xc4: {  	s0 =	sadd.s32 $0x8F2B, s0  }
0xc5: {  	[sflag:s0] =	ssyncadd.remote.s32 $0x1  }
0xc6: {  	_ =	sfence.sel $0xFFFF  }
0xc7: {  	[dreg:$0x0] =	wrdreg $0xFFFFFFFF;
	(pc) =	sbr.abs _section_cstart, $3  }
0xc8: {  	[dreg:$0x1] =	wrdreg $0xFFFFFFFF  }
0xc9: {  	_ =	task.clear_ibuf [dreg:s8], $0x2FFFF;
	_ =	strace $0x9FFFFFFF  }
0xca: {  	(tm) =	ssettm $0x7FFFFFFF  }
0xcb: {  	_ =	shalt  }
tec
execute0_lowered:
.L_overlay_start_1:
0x0: {  	(tag) =	ssettag $0x1  }
0x1: {  	s0 =	rddreg [dreg:$0x0]  }
0x2: {  	s1 =	rddreg [dreg:$0x1]  }
0x3: {  	s2 =	rddreg [dreg:$0x2]  }
0x4: {  	s10 =	rddreg [dreg:$0x3]  }
0x5: {  	s4 =	srdreg.scid;
	s3 =	simm.s32 $0x0;
	s13 =	stileid.u32  }
0x6: {  	s14 =	simm.s32 $0x2;
	s15 =	simm.s32 $0x10100;
	s16 =	simm.s32 $0x3  }
0x7: {  	s17 =	simm.s32 $0x4;
	s19 =	simm.s32 $0x400;
	s20 =	simm.s32 $0x5  }
0x8: {  	s21 =	simm.s32 $0x800;
	s22 =	simm.s32 $0x8000;
	s23 =	simm.s32 $0x11100  }
0x9: {  	s24 =	simm.s32 $0x11500;
	s25 =	simm.s32 $0x0;
	s11 =	sand.u32 $0x1, s4  }
0xa: {  	[smem:$0x7FF] =	sst s3;
	s29 =	sshll.u32 s13, $0x12;
	s8 =	sshll.u32 s13, $0xC  }
0xb: {  	s12 =	sshll.u32 s13, $0x7;
	s31 =	sshll.u32 s13, $0xB;
	s13 =	sshll.u32 s13, $0x6  }
0xc: {  	v0 =	vimm.s32 $0xEDCBA987;
	s5 =	sshll.u32 s11, $0x11;
	_ =	strace $0x80000047;
	s6 =	ssub.s32 $0x2, s11  }
0xd: {  	v1 =	vimm.s32 $0x65432100;
	v0 =	vunpack.c.l.s4.s8 v0;
	s9 =	sand.u32 $0x8000, s8;
	s12 =	sand.u32 $0x380, s12;
	s11 =	sshll.u32 s11, $0x4  }
0xe: {  	v1 =	vunpack.c.l.s4.s8 v1;
	s4 =	sor.u32 s5, s29;
	s5 =	sadd.s32 $0x200600, s0;
	s30 =	sshrl.u32 s6, $0x1  }
0xf: {  	s9 =	sadd.s32 s9, s10;
	s10 =	sadd.s32 s31, s10;
	s2 =	sadd.s32 s2, s11;
	v2 =	vunpack.c.0.s8.s32 v0  }
0x10: {  	v1 =	vunpack.c.0.s8.s32 v1;
	s7 =	sshrl.u32 s4, $0x3;
	s0 =	ssub.s32 s6, s30;
	s8 =	sor.u32 $0x8000, s4  }
0x11: {  	vm0 =	vcmask $0x3F3C;
	s9 =	sadd.s32 s12, s9;
	s11 =	sadd.s32 s13, s2;
	s13 =	simm.s32 $0x1;
	v2 =	vand.u32 $0xF, v2  }
0x12: {  	v0 =	vimm.f32 $0.0e+00;
	s6 =	sadd.s32 s5, s7;
	s7 =	sadd.s32 s1, s7;
	s12 =	smax.u32 s0, $0x1;
	v1 =	vcombine.low v1, v2;
	v2 =	vlaneseq.u32  }
.LBB2_1:
0x13: {  	s26 =	simm.s32 $0x10140  }
0x14: {  	[tilespmem:s26+$0xFFFFFFC0] =	vst v0  }
0x15: {  	[tilespmem:s26+$0x30] =	vst v0  }
0x16: {  	[tilespmem:s26+$0x20] =	vst v0  }
0x17: {  	[tilespmem:s26+$0x10] =	vst v0  }
0x18: {  	[tilespmem:s26+$0x0] =	vst v0  }
0x19: {  	[tilespmem:s26+$0xFFFFFFF0] =	vst v0  }
0x1a: {  	s28 =	simm.s32 $0x0;
	[tilespmem:s26+$0xFFFFFFE0] =	vst v0  }
.LBB2_2:
0x1b: {  	s28 =	sadd.s32 $0x8, s28;
	[tilespmem:s26+$0xFFFFFFD0] =	vst v0;
	s26 =	sadd.s32 $0x80, s26  }
0x1c: {  	[tilespmem:s26+$0xFFFFFFC0] =	vst v0;
	p0 =	slt.u32 s28, $0xF8  }
0x1d: {  	[tilespmem:s26+$0x30] =	vst v0  }
.Ltmp0:
0x1e: {  	[tilespmem:s26+$0x20] =	vst v0;
	(pc) =	sbr.rel @p0 .LBB2_2-.Ltmp0, $4  }
0x1f: {  	[tilespmem:s26+$0x10] =	vst v0  }
0x20: {  	[tilespmem:s26+$0x0] =	vst v0  }
0x21: {  	[tilespmem:s26+$0xFFFFFFF0] =	vst v0  }
0x22: {  	[tilespmem:s26+$0xFFFFFFE0] =	vst v0  }
0x23: {  	s28 =	simm.s32 $0x0  }
0x24: {  	[tilespmem:s26+$0xFFFFFFD0] =	vst v0;
	s26 =	simm.s32 $0x10;
	s2 =	sadd.s32 $0x0, s6;
	s0 =	simm.s32 $0x100  }
.LBB2_4:
0x25: {  	[tilespmem:s28], [sflag:$0x1] =	stream.linear.gather [hbm4b:s2+s3], $0x80, $0x38;
	[tilespmem:$0x13100] =	vst v63  }
0x26: {  	s2 =	smov.u32 s26;
	s28 =	smov.u32 s0;
	p0 =	sne.s32 s26, $0x7F0  }
.Ltmp1:
0x27: {  	s26 =	sadd.s32 $0x10, s26;
	(pc) =	sbr.rel @p0 .LBB2_4-.Ltmp1, $2  }
0x28: {  	_ =	sdelay $0x2  }
0x29: {  	s0 =	sadd.s32 $0x100, s0;
	s2 =	sadd.s32 s2, s6  }
0x2a: {  	[tilespmem:s28], [sflag:$0x1] =	stream.linear.gather [hbm4b:s2+s3], $0x80, $0x38;
	[tilespmem:$0x13100] =	vst v63  }
0x2b: {  	s26 =	simm.s32 $0x0;
	s28 =	simm.s32 $0x8000  }
0x2c: {  	s29 =	simm.s32 $0x10;
	s2 =	sadd.s32 $0x0, s7;
	s0 =	simm.s32 $0x8100  }
.LBB2_6:
0x2d: {  	[tilespmem:s28], [sflag:$0x2] =	stream.linear.gather [hbm4b:s2+s26], $0x80, $0x38;
	[tilespmem:$0x13100] =	vst v63  }
0x2e: {  	s2 =	smov.u32 s29;
	s28 =	smov.u32 s0;
	p0 =	sne.s32 s29, $0x7F0  }
.Ltmp2:
0x2f: {  	s29 =	sadd.s32 $0x10, s29;
	(pc) =	sbr.rel @p0 .LBB2_6-.Ltmp2, $2  }
0x30: {  	_ =	sdelay $0x2  }
0x31: {  	s0 =	sadd.s32 $0x100, s0;
	s2 =	sadd.s32 s2, s7  }
0x32: {  	[tilespmem:s28], [sflag:$0x2] =	stream.linear.gather [hbm4b:s2+s26], $0x80, $0x38;
	[tilespmem:$0x13100] =	vst v63  }
.LBB2_8:
0x33: {  	s28 =	sshll.u32 s26, $0xF  }
0x34: {  	s0 =	sor.u32 s28, s4  }
0x35: {  	s0 =	sshrl.u32 s0, $0x3  }
0x36: {  	s29 =	sor.u32 $0x800, s0  }
0x37: {  	s31 =	simm.s32 $0x80;
	s30 =	sadd.s32 s5, s29  }
0x38: {  	s2 =	simm.s32 $0x180;
	s0 =	simm.s32 $0x10;
	s18 =	sadd.s32 $0x0, s30  }
.LBB2_9:
0x39: {  	[tilespmem:s31], [sflag:$0x3] =	stream.linear.gather [hbm4b:s18+s3], $0x80, $0x38;
	[tilespmem:$0x13100] =	vst v63  }
0x3a: {  	s18 =	smov.u32 s0;
	s31 =	smov.u32 s2;
	p0 =	sne.s32 s0, $0x7F0  }
.Ltmp3:
0x3b: {  	s0 =	sadd.s32 $0x10, s0;
	(pc) =	sbr.rel @p0 .LBB2_9-.Ltmp3, $2  }
0x3c: {  	_ =	sdelay $0x2  }
0x3d: {  	s2 =	sadd.s32 $0x100, s2;
	s18 =	sadd.s32 s18, s30  }
0x3e: {  	[tilespmem:s31], [sflag:$0x3] =	stream.linear.gather [hbm4b:s18+s3], $0x80, $0x38;
	[tilespmem:$0x13100] =	vst v63  }
0x3f: {  	s29 =	sadd.s32 s1, s29;
	s30 =	simm.s32 $0x8080  }
0x40: {  	s0 =	simm.s32 $0x10;
	s2 =	simm.s32 $0x8180;
	s18 =	sadd.s32 $0x0, s29  }
.LBB2_11:
0x41: {  	[tilespmem:s30], [sflag:$0x4] =	stream.linear.gather [hbm4b:s18+s3], $0x80, $0x38;
	[tilespmem:$0x13100] =	vst v63  }
0x42: {  	s18 =	smov.u32 s0;
	s30 =	smov.u32 s2;
	p0 =	sne.s32 s0, $0x7F0  }
.Ltmp4:
0x43: {  	s0 =	sadd.s32 $0x10, s0;
	(pc) =	sbr.rel @p0 .LBB2_11-.Ltmp4, $2  }
0x44: {  	_ =	sdelay $0x2  }
0x45: {  	s2 =	sadd.s32 $0x100, s2;
	s18 =	sadd.s32 s18, s29  }
0x46: {  	[tilespmem:s30], [sflag:$0x4] =	stream.linear.gather [hbm4b:s18+s3], $0x80, $0x38;
	[tilespmem:$0x13100] =	vst v63  }
0x47: {  	_ =	swait.ge [sflag:s13], $0x4000  }
0x48: {  	[sflag:s13] =	ssyncset.done $0x0  }
0x49: {  	[sflag:s13] =	ssyncadd.s32 $0xFFFFC000  }
0x4a: {  	_ =	swait.ge [sflag:s14], $0x4000  }
0x4b: {  	[sflag:s14] =	ssyncset.done $0x0  }
0x4c: {  	s29 =	simm.s32 $0x8100;
	[sflag:s14] =	ssyncadd.s32 $0xFFFFC000  }
0x4d: {  	v9 =	vld [tilespmem:s29+$0x71]  }
0x4e: {  	s30 =	simm.s32 $0x100;
	v10 =	vld [tilespmem:s29+$0x61]  }
0x4f: {  	v3 =	vld [tilespmem:s30+$0xFFFFFF00]  }
0x50: {  	v14 =	vld [tilespmem:s29+$0x60]  }
0x51: {  	v11 =	vld [tilespmem:s29+$0xFFFFFF00]  }
0x52: {  	v6 =	vld [tilespmem:s30+$0x70]  }
0x53: {  	v7 =	vld [tilespmem:s29+$0x51]  }
0x54: {  	v4 =	vld [tilespmem:s30+$0x50];
	(xrf2) =	vadd.scan.msk.f32 $0xffff, v3  }
0x55: {  	v8 =	vld [tilespmem:s29+$0xFFFFFF01]  }
0x56: {  	v15 =	vld [tilespmem:s29+$0x50]  }
0x57: {  	v5 =	vld [tilespmem:s30+$0x60]  }
0x58: {  	v19 =	vld [tilespmem:s29+$0xFFFFFF11]  }
0x59: {  	v22 =	vld [tilespmem:s29+$0xFFFFFF31];
	(xrf2) =	vadd.scan.msk.f32 $0xffff, v4  }
0x5a: {  	v12 =	vld [tilespmem:s30+$0x30]  }
0x5b: {  	v13 =	vld [tilespmem:s30+$0x40]  }
0x5c: {  	v25 =	vld [tilespmem:s29+$0xFFFFFF41]  }
0x5d: {  	v27 =	vld [tilespmem:s29+$0xFFFFFF61];
	vm1 =	vne.s32 v11, v8;
	(xrf2) =	vadd.scan.msk.f32 $0xffff, v5  }
0x5e: {  	v29 =	vld [tilespmem:s30+$0xFFFFFF20];
	vm5 =	vmor vm1, vm0;
	(xrf2) =	vadd.scan.msk.f32 $0xffff, v6;
	v16, _, _ =	vpop (xrf2)  }
0x5f: {  	v20 =	vld [tilespmem:s29+$0x70];
	v17 =	vnsel vm5, $0x0, v16  }
0x60: {  	v28 =	vld [tilespmem:s29+$0x1];
	(xrf0) =	vmax.scan.msk.f32 $0xffff, v17  }
0x61: {  	v18 =	vld [tilespmem:s30+$0x10]  }
0x62: {  	v26 =	vld [tilespmem:s30+$0xFFFFFF50];
	vm1 =	vne.s32 v15, v7  }
0x63: {  	vm4 =	vmor vm1, vm0;
	vm1 =	vne.s32 v14, v10;
	v10 =	vld [tilespmem:s30+$0x20];
	v17, _, _ =	vpop (xrf2)  }
0x64: {  	v30 =	vld [tilespmem:s29+$0x31];
	(xrf2) =	vadd.scan.msk.f32 $0xffff, v13;
	v13 =	vnsel vm4, $0x0, v17  }
0x65: {  	v31 =	vld [tilespmem:s30+$0xFFFFFF70];
	(xrf0) =	vmax.scan.msk.f32 $0xffff, v13  }
0x66: {  	v32 =	vld [tilespmem:s29+$0x21];
	v23, _, _ =	vpop (xrf0)  }
0x67: {  	v33 =	vld [tilespmem:s29+$0x11];
	vm2 =	vmor vm1, vm0;
	vm1 =	vne.s32 v20, v9;
	(xrf2) =	vadd.scan.msk.f32 $0xffff, v12;
	v24, _, _ =	vpop (xrf2);
	v23 =	vperm.xlane v23, v1  }
0x68: {  	v3 =	vld [tilespmem:s29+$0xFFFFFF10];
	vm3 =	vmor vm1, vm0;
	(xrf2) =	vadd.scan.msk.f32 $0xffff, v10;
	v12 =	vnsel vm2, $0x0, v24;
	v21, _, _ =	vpop (xrf2)  }
0x69: {  	v8 =	vld [tilespmem:s30+$0xFFFFFF10];
	vm1 =	veq.s32 v2, $0x0;
	(xrf0) =	vmax.scan.msk.f32 $0xffff, v12;
	v12 =	vnsel vm3, $0x0, v21  }
0x6a: {  	v9 =	vld [tilespmem:s29+$0x40];
	(xrf0) =	vmax.scan.msk.f32 $0xffff, v12;
	v10 =	vsel vm1, $0x0, v23  }
0x6b: {  	v13 =	vld [tilespmem:s29+$0x41];
	v10 =	vsub.f32 v16, v10;
	v23, _, _ =	vpop (xrf0)  }
0x6c: {  	v12 =	vld [tilespmem:s29+$0x30];
	v16 =	vperm.xlane v23, v1  }
0x6d: {  	v4 =	vld [tilespmem:s29+$0xFFFFFF30]  }
0x6e: {  	v7 =	vld [tilespmem:s29+$0x0];
	v16 =	vsel vm1, $0x0, v16  }
0x6f: {  	[tilespmem:v11+s15+$0x0] =	vst.idx.add.f32.msk vm5, v10;
	v10, _, _ =	vpop (xrf0);
	v16 =	vsub.f32 v17, v16  }
0x70: {  	v5 =	vld [tilespmem:s29+$0xFFFFFF40];
	(xrf2) =	vadd.scan.msk.f32 $0xffff, v18;
	v18, _, _ =	vpop (xrf0)  }
0x71: {  	v11 =	vld [tilespmem:s29+$0x20];
	vm5 =	vne.s32 v9, v13;
	vm6 =	vne.s32 v12, v30;
	v18 =	vperm.xlane v18, v1  }
0x72: {  	v6 =	vld [tilespmem:s29+$0xFFFFFF60];
	vm7 =	vmor vm5, vm0;
	vm8 =	vmor vm6, vm0;
	v17, _, _ =	vpop (xrf2);
	(xrf2) =	vadd.scan.msk.f32 $0xffff, v26  }
0x73: {  	v10 =	vperm.xlane v10, v1;
	[tilespmem:v15+s15+$0x0] =	vst.idx.add.f32.msk vm4, v16;
	v15 =	vsel vm1, $0x0, v18;
	v18 =	vnsel vm7, $0x0, v17;
	v16, _, _ =	vpop (xrf2)  }
0x74: {  	v13 =	vld [tilespmem:s29+$0x10];
	(xrf0) =	vmax.scan.msk.f32 $0xffff, v18;
	v18 =	vnsel vm8, $0x0, v16  }
0x75: {  	v30 =	vld [tilespmem:s30+$0x0];
	v10 =	vsel vm1, $0x0, v10  }
0x76: {  	v23 =	vld [tilespmem:s29+$0xFFFFFF71];
	(xrf2) =	vadd.scan.msk.f32 $0xffff, v31;
	vm4 =	vne.s32 v11, v32;
	v10 =	vsub.f32 v24, v10;
	v15 =	vsub.f32 v21, v15  }
0x77: {  	vm5 =	vne.s32 v5, v25;
	v25 =	vld [tilespmem:s29+$0xFFFFFF21];
	vm9 =	vmor vm4, vm0;
	(xrf0) =	vmax.scan.msk.f32 $0xffff, v18;
	v18, _, _ =	vpop (xrf2)  }
0x78: {  	[tilespmem:v20+s15+$0x0] =	vst.idx.add.f32.msk vm3, v15;
	v15 =	vnsel vm9, $0x0, v18  }
0x79: {  	v26 =	vld [tilespmem:s29+$0xFFFFFF51];
	(xrf0) =	vmax.scan.msk.f32 $0xffff, v15  }
0x7a: {  	[tilespmem:v14+s15+$0x0] =	vst.idx.add.f32.msk vm2, v10;
	vm3 =	vne.s32 v13, v33;
	v10, _, _ =	vpop (xrf0)  }
0x7b: {  	(xrf2) =	vadd.scan.msk.f32 $0xffff, v30;
	vm10 =	vmor vm3, vm0;
	v20, _, _ =	vpop (xrf2);
	v15 =	vld [tilespmem:s29+$0xFFFFFF50];
	v10 =	vperm.xlane v10, v1  }
0x7c: {  	v24 =	vld [tilespmem:s30+$0xFFFFFF60];
	vm3 =	vne.s32 v4, v22;
	v22 =	vnsel vm10, $0x0, v20  }
0x7d: {  	v14 =	vld [tilespmem:s29+$0xFFFFFF70];
	(xrf0) =	vmax.scan.msk.f32 $0xffff, v22;
	v30, _, _ =	vpop (xrf0)  }
0x7e: {  	vm4 =	vne.s32 v7, v28;
	v21 =	vld [tilespmem:s30+$0xFFFFFF30];
	vm2 =	vne.s32 v3, v19;
	(xrf2) =	vadd.scan.msk.f32 $0xffff, v29;
	v19, _, _ =	vpop (xrf2);
	v28 =	vperm.xlane v30, v1  }
0x7f: {  	s31 =	simm.s32 $0x0;
	vm6 =	vne.s32 v6, v27;
	vm4 =	vmor vm4, vm0;
	v29 =	vld [tilespmem:s30+$0xFFFFFF40];
	v27 =	vsel vm1, $0x0, v10;
	v10, _, _ =	vpop (xrf0)  }
.LBB2_13:
0x80: {  	s31 =	sadd.s32 $0x10, s31;
	v22 =	vld [tilespmem:s29+$0xFFFFFF20];
	vm11 =	vne.s32 v15, v26;
	v26 =	vsel vm1, $0x0, v28;
	v27 =	vsub.f32 v17, v27;
	s29 =	sadd.s32 $0x200, s29;
	s30 =	sadd.s32 $0x200, s30;
	v28, _, _ =	vpop (xrf2)  }
0x81: {  	v17 =	vld [tilespmem:s29+$0x71];
	p0 =	slt.u32 s31, $0x3F0;
	vm12 =	vmor vm11, vm0;
	v16 =	vsub.f32 v16, v26;
	(xrf2) =	vadd.scan.msk.f32 $0xffff, v24  }
0x82: {  	v24 =	vnsel vm12, $0x0, v19;
	vm11 =	vne.s32 v14, v23;
	v23 =	vperm.xlane v10, v1;
	[tilespmem:v9+s15+$0x0] =	vst.idx.add.f32.msk vm7, v27  }
0x83: {  	vm11 =	vmor vm11, vm0;
	[tilespmem:v12+s15+$0x0] =	vst.idx.add.f32.msk vm8, v16;
	v9, _, _ =	vpop (xrf0)  }
0x84: {  	v12 =	vld [tilespmem:s29+$0x61];
	v26 =	vnsel vm11, $0x0, v28;
	v9 =	vperm.xlane v9, v1;
	(xrf2) =	vadd.scan.msk.f32 $0xffff, v29  }
0x85: {  	v23 =	vsel vm1, $0x0, v23;
	v10 =	vld [tilespmem:s29+$0x60];
	vm7 =	vne.s32 v22, v25;
	v25, _, _ =	vpop (xrf2)  }
0x86: {  	v18 =	vsub.f32 v18, v23;
	v16 =	vld [tilespmem:s29+$0xFFFFFF00];
	v9 =	vsel vm1, $0x0, v9;
	(xrf0) =	vmax.scan.msk.f32 $0xffff, v24  }
0x87: {  	v24 =	vnsel vm4, $0x0, v25;
	v23 =	vld [tilespmem:s30+$0x70];
	v9 =	vsub.f32 v20, v9;
	(xrf0) =	vmax.scan.msk.f32 $0xffff, v26  }
0x88: {  	vm8 =	vmor vm7, vm0;
	[tilespmem:v11+s15+$0x0] =	vst.idx.add.f32.msk vm9, v18;
	v11, _, _ =	vpop (xrf2);
	(xrf2) =	vadd.scan.msk.f32 $0xffff, v21  }
0x89: {  	v20 =	vld [tilespmem:s30+$0xFFFFFF00];
	v21 =	vnsel vm8, $0x0, v11  }
0x8a: {  	v26 =	vld [tilespmem:s29+$0x51];
	vm7 =	vne.s32 v10, v12;
	(xrf0) =	vmax.scan.msk.f32 $0xffff, v24  }
0x8b: {  	v12 =	vld [tilespmem:s29+$0xFFFFFF01];
	(xrf2) =	vadd.scan.msk.f32 $0xffff, v8;
	v8, _, _ =	vpop (xrf2)  }
0x8c: {  	[tilespmem:v13+s15+$0x0] =	vst.idx.add.f32.msk vm10, v9;
	v9, _, _ =	vpop (xrf0)  }
0x8d: {  	v18 =	vld [tilespmem:s29+$0x50];
	v9 =	vperm.xlane v9, v1;
	v13, _, _ =	vpop (xrf0)  }
0x8e: {  	vm10 =	vmor vm6, vm0;
	v24 =	vld [tilespmem:s30+$0x60];
	(xrf0) =	vmax.scan.msk.f32 $0xffff, v21;
	v21, _, _ =	vpop (xrf2)  }
0x8f: {  	vm5 =	vmor vm5, vm0;
	v29 =	vnsel vm10, $0x0, v8;
	v27 =	vld [tilespmem:s29+$0xFFFFFF11];
	v9 =	vsel vm1, $0x0, v9  }
0x90: {  	v13 =	vperm.xlane v13, v1;
	v31 =	vnsel vm5, $0x0, v21;
	v30 =	vld [tilespmem:s30+$0x50];
	v9 =	vsub.f32 v19, v9;
	(xrf0) =	vmax.scan.msk.f32 $0xffff, v29;
	v19, _, _ =	vpop (xrf0)  }
0x91: {  	v29 =	vld [tilespmem:s29+$0xFFFFFF10];
	v19 =	vperm.xlane v19, v1;
	(xrf0) =	vmax.scan.msk.f32 $0xffff, v31  }
0x92: {  	vm6 =	vmor vm2, vm0;
	v13 =	vsel vm1, $0x0, v13;
	v31 =	vld [tilespmem:s29+$0xFFFFFF31];
	v32, _, _ =	vpop (xrf2)  }
0x93: {  	vm13 =	vmor vm3, vm0;
	v13 =	vsub.f32 v28, v13;
	v33 =	vld [tilespmem:s30+$0x30];
	v19 =	vsel vm1, $0x0, v19  }
0x94: {  	vm9 =	vne.s32 v18, v26;
	v26 =	vnsel vm13, $0x0, v32;
	v28 =	vld [tilespmem:s30+$0x40];
	v19 =	vsub.f32 v25, v19;
	v25, _, _ =	vpop (xrf0)  }
0x95: {  	[tilespmem:v15+s15+$0x0] =	vst.idx.add.f32.msk vm12, v9;
	v9, _, _ =	vpop (xrf2);
	(xrf0) =	vmax.scan.msk.f32 $0xffff, v26  }
0x96: {  	v25 =	vperm.xlane v25, v1;
	vm2 =	vne.s32 v29, v27;
	v15 =	vnsel vm6, $0x0, v9;
	[tilespmem:v7+s15+$0x0] =	vst.idx.add.f32.msk vm4, v19;
	v7, _, _ =	vpop (xrf0)  }
0x97: {  	v7 =	vperm.xlane v7, v1;
	[tilespmem:v14+s15+$0x0] =	vst.idx.add.f32.msk vm11, v13;
	(xrf0) =	vmax.scan.msk.f32 $0xffff, v15;
	v13, _, _ =	vpop (xrf0)  }
0x98: {  	v15 =	vsel vm1, $0x0, v25;
	v14 =	vld [tilespmem:s29+$0xFFFFFF30];
	v13 =	vperm.xlane v13, v1  }
0x99: {  	v11 =	vsub.f32 v11, v15;
	v19 =	vld [tilespmem:s29+$0xFFFFFF41];
	(xrf2) =	vadd.scan.msk.f32 $0xffff, v20  }
0x9a: {  	v7 =	vsel vm1, $0x0, v7;
	v15 =	vld [tilespmem:s29+$0xFFFFFF40];
	v13 =	vsel vm1, $0x0, v13  }
0x9b: {  	v7 =	vsub.f32 v8, v7;
	[tilespmem:v22+s15+$0x0] =	vst.idx.add.f32.msk vm8, v11;
	v11 =	vsub.f32 v21, v13;
	v8, _, _ =	vpop (xrf0)  }
0x9c: {  	v13 =	vld [tilespmem:s29+$0xFFFFFF61];
	(xrf2) =	vadd.scan.msk.f32 $0xffff, v30;
	v8 =	vperm.xlane v8, v1  }
0x9d: {  	vm3 =	vne.s32 v14, v31;
	[tilespmem:v6+s15+$0x0] =	vst.idx.add.f32.msk vm10, v7;
	v6, _, _ =	vpop (xrf0)  }
0x9e: {  	v7 =	vperm.xlane v6, v1;
	v6 =	vsel vm1, $0x0, v8;
	[tilespmem:v5+s15+$0x0] =	vst.idx.add.f32.msk vm5, v11  }
0x9f: {  	v22 =	vld [tilespmem:s30+$0xFFFFFF20];
	vm5 =	vne.s32 v15, v19;
	(xrf2) =	vadd.scan.msk.f32 $0xffff, v24;
	v8 =	vsub.f32 v32, v6;
	v5 =	vmov v15  }
0xa0: {  	v6 =	vld [tilespmem:s29+$0xFFFFFF60];
	v7 =	vsel vm1, $0x0, v7  }
0xa1: {  	v7 =	vsub.f32 v9, v7;
	[tilespmem:v4+s15+$0x0] =	vst.idx.add.f32.msk vm13, v8;
	v4 =	vmov v14  }
0xa2: {  	vm4 =	vne.s32 v16, v12;
	v8 =	vld [tilespmem:s30+$0xFFFFFF10];
	(xrf2) =	vadd.scan.msk.f32 $0xffff, v23  }
0xa3: {  	vm8 =	vmor vm4, vm0;
	v11, _, _ =	vpop (xrf2);
	[tilespmem:v3+s15+$0x0] =	vst.idx.add.f32.msk vm6, v7;
	v3 =	vmov v29  }
0xa4: {  	v9 =	vnsel vm8, $0x0, v11;
	v12 =	vld [tilespmem:s29+$0x1]  }
0xa5: {  	vm6 =	vne.s32 v6, v13;
	v7 =	vld [tilespmem:s29+$0x0];
	(xrf0) =	vmax.scan.msk.f32 $0xffff, v9  }
0xa6: {  	vm9 =	vmor vm9, vm0;
	v14 =	vld [tilespmem:s29+$0x70];
	(xrf2) =	vadd.scan.msk.f32 $0xffff, v28;
	v13, _, _ =	vpop (xrf2)  }
0xa7: {  	v15 =	vld [tilespmem:s30+$0x20];
	v9 =	vnsel vm9, $0x0, v13  }
0xa8: {  	v19 =	vld [tilespmem:s30+$0x10];
	(xrf0) =	vmax.scan.msk.f32 $0xffff, v9  }
0xa9: {  	vm11 =	vmor vm7, vm0;
	v20 =	vld [tilespmem:s29+$0x41];
	(xrf2) =	vadd.scan.msk.f32 $0xffff, v33;
	v23, _, _ =	vpop (xrf2)  }
0xaa: {  	vm4 =	vne.s32 v7, v12;
	v9 =	vld [tilespmem:s29+$0x40];
	v12 =	vnsel vm11, $0x0, v23  }
0xab: {  	v21 =	vld [tilespmem:s30+$0xFFFFFF50];
	vm7 =	vne.s32 v14, v17;
	v17, _, _ =	vpop (xrf0);
	(xrf0) =	vmax.scan.msk.f32 $0xffff, v12  }
0xac: {  	v17 =	vperm.xlane v17, v1;
	v24 =	vld [tilespmem:s29+$0x31];
	vm12 =	vmor vm7, vm0;
	(xrf2) =	vadd.scan.msk.f32 $0xffff, v15;
	v15, _, _ =	vpop (xrf2)  }
0xad: {  	v12 =	vld [tilespmem:s29+$0x30];
	v25 =	vnsel vm12, $0x0, v15  }
0xae: {  	vm4 =	vmor vm4, vm0;
	v29 =	vsel vm1, $0x0, v17;
	v26 =	vld [tilespmem:s30+$0xFFFFFF70];
	v27, _, _ =	vpop (xrf0);
	(xrf0) =	vmax.scan.msk.f32 $0xffff, v25  }
0xaf: {  	v25 =	vsub.f32 v11, v29;
	v28 =	vld [tilespmem:s29+$0x21];
	vm7 =	vne.s32 v9, v20;
	v27 =	vperm.xlane v27, v1;
	(xrf2) =	vadd.scan.msk.f32 $0xffff, v19  }
0xb0: {  	v11 =	vld [tilespmem:s29+$0x20];
	vm7 =	vmor vm7, vm0;
	v17, _, _ =	vpop (xrf2)  }
0xb1: {  	[tilespmem:v16+s15+$0x0] =	vst.idx.add.f32.msk vm8, v25;
	v19 =	vnsel vm7, $0x0, v17;
	v27 =	vsel vm1, $0x0, v27;
	v20, _, _ =	vpop (xrf0)  }
0xb2: {  	v25 =	vld [tilespmem:s29+$0x11];
	vm8 =	vne.s32 v12, v24;
	v24 =	vsub.f32 v13, v27;
	v20 =	vperm.xlane v20, v1;
	(xrf2) =	vadd.scan.msk.f32 $0xffff, v21  }
0xb3: {  	v13 =	vld [tilespmem:s29+$0x10];
	vm8 =	vmor vm8, vm0;
	v16, _, _ =	vpop (xrf2)  }
0xb4: {  	v27 =	vnsel vm8, $0x0, v16;
	[tilespmem:v18+s15+$0x0] =	vst.idx.add.f32.msk vm9, v24;
	v20 =	vsel vm1, $0x0, v20;
	(xrf0) =	vmax.scan.msk.f32 $0xffff, v19;
	v19, _, _ =	vpop (xrf0)  }
0xb5: {  	v21 =	vld [tilespmem:s30+$0xFFFFFF30];
	vm9 =	vne.s32 v11, v28;
	v28 =	vsub.f32 v23, v20;
	v19 =	vperm.xlane v19, v1;
	(xrf0) =	vmax.scan.msk.f32 $0xffff, v27  }
0xb6: {  	v27 =	vld [tilespmem:s30+$0x0];
	(xrf2) =	vadd.scan.msk.f32 $0xffff, v26;
	v18, _, _ =	vpop (xrf2)  }
0xb7: {  	vm9 =	vmor vm9, vm0;
	v23 =	vld [tilespmem:s29+$0xFFFFFF71];
	v19 =	vsel vm1, $0x0, v19  }
0xb8: {  	v24 =	vld [tilespmem:s30+$0xFFFFFF60];
	vm10 =	vne.s32 v13, v25;
	v25 =	vnsel vm9, $0x0, v18;
	v15 =	vsub.f32 v15, v19  }
0xb9: {  	v26 =	vld [tilespmem:s29+$0xFFFFFF51];
	vm10 =	vmor vm10, vm0;
	v20, _, _ =	vpop (xrf2);
	(xrf0) =	vmax.scan.msk.f32 $0xffff, v25  }
0xba: {  	v25 =	vnsel vm10, $0x0, v20;
	[tilespmem:v14+s15+$0x0] =	vst.idx.add.f32.msk vm12, v15;
	v29, _, _ =	vpop (xrf0)  }
.Ltmp5:
0xbb: {  	v15 =	vld [tilespmem:s29+$0xFFFFFF50];
	(xrf2) =	vadd.scan.msk.f32 $0xffff, v27;
	v27, _, _ =	vpop (xrf0);
	(pc) =	sbr.rel @p0 .LBB2_13-.Ltmp5, $4  }
0xbc: {  	[tilespmem:v10+s15+$0x0] =	vst.idx.add.f32.msk vm11, v28;
	v19, _, _ =	vpop (xrf2)  }
0xbd: {  	v30 =	vperm.xlane v29, v1;
	v14 =	vld [tilespmem:s29+$0xFFFFFF70];
	(xrf0) =	vmax.scan.msk.f32 $0xffff, v25  }
0xbe: {  	v28 =	vperm.xlane v27, v1;
	v25 =	vld [tilespmem:s29+$0xFFFFFF21];
	(xrf2) =	vadd.scan.msk.f32 $0xffff, v22  }
0xbf: {  	v27 =	vsel vm1, $0x0, v30;
	v29 =	vld [tilespmem:s30+$0xFFFFFF40];
	v10, _, _ =	vpop (xrf0)  }
0xc0: {  	vm11 =	vne.s32 v15, v26  }
0xc1: {  	vm11 =	vmor vm11, vm0  }
0xc2: {  	(xrf2) =	vadd.scan.msk.f32 $0xffff, v24;
	v22 =	vnsel vm11, $0x0, v19  }
0xc3: {  	(xrf0) =	vmax.scan.msk.f32 $0xffff, v22  }
0xc4: {  	(xrf2) =	vadd.scan.msk.f32 $0xffff, v29  }
0xc5: {  	(xrf2) =	vadd.scan.msk.f32 $0xffff, v21  }
0xc6: {  	v21 =	vld [tilespmem:s29+$0xFFFFFF20];
	(xrf2) =	vadd.scan.msk.f32 $0xffff, v8;
	_ =	sdelay $0x1  }
0xc7: {  	v52, _, _ =	vpop (xrf2);
	vm12 =	vne.s32 v14, v23  }
0xc8: {  	vm12 =	vmor vm12, vm0;
	v56, _, _ =	vpop (xrf0)  }
0xc9: {  	v55 =	vnsel vm12, $0x0, v52;
	v53, _, _ =	vpop (xrf2)  }
0xca: {  	(xrf0) =	vmax.scan.msk.f32 $0xffff, v55;
	v57 =	vnsel vm4, $0x0, v53;
	v54, _, _ =	vpop (xrf2);
	vm13 =	vne.s32 v21, v25  }
0xcb: {  	(xrf0) =	vmax.scan.msk.f32 $0xffff, v57;
	v60, _, _ =	vpop (xrf0);
	vm13 =	vmor vm13, vm0  }
0xcc: {  	vm6 =	vmor vm6, vm0;
	v58, _, _ =	vpop (xrf2);
	v59 =	vnsel vm13, $0x0, v54  }
0xcd: {  	vm5 =	vmor vm5, vm0;
	v30 =	vnsel vm6, $0x0, v58;
	(xrf0) =	vmax.scan.msk.f32 $0xffff, v59;
	v61, _, _ =	vpop (xrf2)  }
0xce: {  	v28 =	vsel vm1, $0x0, v28;
	vm3 =	vmor vm3, vm0;
	(xrf0) =	vmax.scan.msk.f32 $0xffff, v30;
	v31 =	vnsel vm5, $0x0, v61;
	v62, _, _ =	vpop (xrf2)  }
0xcf: {  	v10 =	vperm.xlane v10, v1;
	vm2 =	vmor vm2, vm0;
	(xrf0) =	vmax.scan.msk.f32 $0xffff, v31;
	v63 =	vnsel vm3, $0x0, v62;
	v32, _, _ =	vpop (xrf2)  }
0xd0: {  	v17 =	vsub.f32 v17, v27;
	v26 =	vperm.xlane v56, v1;
	v35, _, _ =	vpop (xrf0);
	(xrf0) =	vmax.scan.msk.f32 $0xffff, v63;
	v36 =	vnsel vm2, $0x0, v32  }
0xd1: {  	v16 =	vsub.f32 v16, v28;
	v10 =	vsel vm1, $0x0, v10;
	v29 =	vperm.xlane v60, v1;
	v37, _, _ =	vpop (xrf0);
	(xrf0) =	vmax.scan.msk.f32 $0xffff, v36  }
0xd2: {  	[tilespmem:v9+s15+$0x0] =	vst.idx.add.f32.msk vm7, v17;
	v10 =	vsub.f32 v18, v10;
	v38 =	vsel vm1, $0x0, v26;
	v42 =	vperm.xlane v35, v1  }
0xd3: {  	[tilespmem:v12+s15+$0x0] =	vst.idx.add.f32.msk vm8, v16;
	v9 =	vsub.f32 v20, v38;
	v41 =	vsel vm1, $0x0, v29;
	v39 =	vperm.xlane v37, v1;
	v40, _, _ =	vpop (xrf0)  }
0xd4: {  	[tilespmem:v11+s15+$0x0] =	vst.idx.add.f32.msk vm9, v10;
	v44 =	vsub.f32 v19, v41;
	v47 =	vsel vm1, $0x0, v42;
	v43, _, _ =	vpop (xrf0);
	v46 =	vperm.xlane v40, v1  }
0xd5: {  	[tilespmem:v13+s15+$0x0] =	vst.idx.add.f32.msk vm10, v9;
	v8 =	vsub.f32 v52, v47;
	v45 =	vsel vm1, $0x0, v39;
	v48 =	vperm.xlane v43, v1;
	v49, _, _ =	vpop (xrf0)  }
0xd6: {  	[tilespmem:v15+s15+$0x0] =	vst.idx.add.f32.msk vm11, v44;
	v11 =	vsub.f32 v53, v45;
	v50 =	vsel vm1, $0x0, v46;
	v51 =	vperm.xlane v49, v1;
	v52, _, _ =	vpop (xrf0)  }
0xd7: {  	[tilespmem:v14+s15+$0x0] =	vst.idx.add.f32.msk vm12, v8;
	v53 =	vsub.f32 v54, v50;
	v54 =	vsel vm1, $0x0, v48;
	v55 =	vperm.xlane v52, v1;
	v56, _, _ =	vpop (xrf0)  }
0xd8: {  	p0 =	seq.s32 s26, $0x3;
	[tilespmem:v7+s15+$0x0] =	vst.idx.add.f32.msk vm4, v11;
	v9 =	vsub.f32 v58, v54;
	v57 =	vsel vm1, $0x0, v51;
	v58 =	vperm.xlane v56, v1  }
.Ltmp6:
0xd9: {  	[tilespmem:v21+s15+$0x0] =	vst.idx.add.f32.msk vm13, v53;
	v59 =	vsub.f32 v61, v57;
	v60 =	vsel vm1, $0x0, v55;
	(pc) =	sbr.rel @p0 .LBB2_20-.Ltmp6, $4  }
0xda: {  	[tilespmem:v6+s15+$0x0] =	vst.idx.add.f32.msk vm6, v9;
	v61 =	vsub.f32 v62, v60;
	v62 =	vsel vm1, $0x0, v58  }
0xdb: {  	[tilespmem:v5+s15+$0x0] =	vst.idx.add.f32.msk vm5, v59;
	v63 =	vsub.f32 v32, v62  }
0xdc: {  	[tilespmem:v4+s15+$0x0] =	vst.idx.add.f32.msk vm3, v61  }
0xdd: {  	[tilespmem:v3+s15+$0x0] =	vst.idx.add.f32.msk vm2, v63  }
0xde: {  	s0 =	sadd.s32 s28, s8  }
0xdf: {  	s28 =	sshrl.u32 s0, $0x3  }
0xe0: {  	s30 =	simm.s32 $0x0;
	s29 =	sadd.s32 s5, s28  }
0xe1: {  	s2 =	simm.s32 $0x100;
	s0 =	simm.s32 $0x10;
	s18 =	sadd.s32 $0x0, s29  }
.LBB2_16:
0xe2: {  	[tilespmem:s30], [sflag:$0x1] =	stream.linear.gather [hbm4b:s18+s3], $0x80, $0x38;
	[tilespmem:$0x13100] =	vst v63  }
0xe3: {  	s18 =	smov.u32 s0;
	s30 =	smov.u32 s2;
	p0 =	sne.s32 s0, $0x7F0  }
.Ltmp7:
0xe4: {  	s0 =	sadd.s32 $0x10, s0;
	(pc) =	sbr.rel @p0 .LBB2_16-.Ltmp7, $2  }
0xe5: {  	_ =	sdelay $0x2  }
0xe6: {  	s2 =	sadd.s32 $0x100, s2;
	s18 =	sadd.s32 s18, s29  }
0xe7: {  	[tilespmem:s30], [sflag:$0x1] =	stream.linear.gather [hbm4b:s18+s3], $0x80, $0x38;
	[tilespmem:$0x13100] =	vst v63  }
0xe8: {  	s28 =	sadd.s32 s1, s28;
	s29 =	simm.s32 $0x8000  }
0xe9: {  	s0 =	simm.s32 $0x10;
	s2 =	simm.s32 $0x8100;
	s18 =	sadd.s32 $0x0, s28  }
.LBB2_18:
0xea: {  	[tilespmem:s29], [sflag:$0x2] =	stream.linear.gather [hbm4b:s18+s3], $0x80, $0x38;
	[tilespmem:$0x13100] =	vst v63  }
0xeb: {  	s18 =	smov.u32 s0;
	s29 =	smov.u32 s2;
	p0 =	sne.s32 s0, $0x7F0  }
.Ltmp8:
0xec: {  	s0 =	sadd.s32 $0x10, s0;
	(pc) =	sbr.rel @p0 .LBB2_18-.Ltmp8, $2  }
0xed: {  	_ =	sdelay $0x2  }
0xee: {  	s2 =	sadd.s32 $0x100, s2;
	s18 =	sadd.s32 s18, s28  }
0xef: {  	[tilespmem:s29], [sflag:$0x2] =	stream.linear.gather [hbm4b:s18+s3], $0x80, $0x38;
	[tilespmem:$0x13100] =	vst v63  }
.LBB2_20:
0xf0: {  	_ =	swait.ge [sflag:s16], $0x4000  }
0xf1: {  	[sflag:s16] =	ssyncset.done $0x0  }
0xf2: {  	[sflag:s16] =	ssyncadd.s32 $0xFFFFC000  }
0xf3: {  	_ =	swait.ge [sflag:s17], $0x4000  }
0xf4: {  	[sflag:s17] =	ssyncset.done $0x0  }
0xf5: {  	s28 =	simm.s32 $0x8180;
	[sflag:s17] =	ssyncadd.s32 $0xFFFFC000  }
0xf6: {  	v9 =	vld [tilespmem:s28+$0x71]  }
0xf7: {  	s29 =	simm.s32 $0x180;
	v10 =	vld [tilespmem:s28+$0x61]  }
0xf8: {  	v3 =	vld [tilespmem:s29+$0xFFFFFF00]  }
0xf9: {  	v14 =	vld [tilespmem:s28+$0x60]  }
0xfa: {  	v11 =	vld [tilespmem:s28+$0xFFFFFF00]  }
0xfb: {  	v6 =	vld [tilespmem:s29+$0x70]  }
0xfc: {  	v7 =	vld [tilespmem:s28+$0x51]  }
0xfd: {  	v4 =	vld [tilespmem:s29+$0x50];
	(xrf2) =	vadd.scan.msk.f32 $0xffff, v3  }
0xfe: {  	v8 =	vld [tilespmem:s28+$0xFFFFFF01]  }
0xff: {  	v15 =	vld [tilespmem:s28+$0x50]  }
0x100: {  	v5 =	vld [tilespmem:s29+$0x60]  }
0x101: {  	v19 =	vld [tilespmem:s28+$0xFFFFFF11]  }
0x102: {  	v22 =	vld [tilespmem:s28+$0xFFFFFF31];
	(xrf2) =	vadd.scan.msk.f32 $0xffff, v4  }
0x103: {  	v12 =	vld [tilespmem:s29+$0x30]  }
0x104: {  	v13 =	vld [tilespmem:s29+$0x40]  }
0x105: {  	v25 =	vld [tilespmem:s28+$0xFFFFFF41]  }
0x106: {  	v27 =	vld [tilespmem:s28+$0xFFFFFF61];
	vm1 =	vne.s32 v11, v8;
	(xrf2) =	vadd.scan.msk.f32 $0xffff, v5  }
0x107: {  	v29 =	vld [tilespmem:s29+$0xFFFFFF20];
	vm5 =	vmor vm1, vm0;
	(xrf2) =	vadd.scan.msk.f32 $0xffff, v6;
	v16, _, _ =	vpop (xrf2)  }
0x108: {  	v20 =	vld [tilespmem:s28+$0x70];
	v17 =	vnsel vm5, $0x0, v16  }
0x109: {  	v28 =	vld [tilespmem:s28+$0x1];
	(xrf0) =	vmax.scan.msk.f32 $0xffff, v17  }
0x10a: {  	v18 =	vld [tilespmem:s29+$0x10]  }
0x10b: {  	v26 =	vld [tilespmem:s29+$0xFFFFFF50];
	vm1 =	vne.s32 v15, v7  }
0x10c: {  	vm4 =	vmor vm1, vm0;
	vm1 =	vne.s32 v14, v10;
	v10 =	vld [tilespmem:s29+$0x20];
	v17, _, _ =	vpop (xrf2)  }
0x10d: {  	v30 =	vld [tilespmem:s28+$0x31];
	(xrf2) =	vadd.scan.msk.f32 $0xffff, v13;
	v13 =	vnsel vm4, $0x0, v17  }
0x10e: {  	v31 =	vld [tilespmem:s29+$0xFFFFFF70];
	(xrf0) =	vmax.scan.msk.f32 $0xffff, v13  }
0x10f: {  	v32 =	vld [tilespmem:s28+$0x21];
	v23, _, _ =	vpop (xrf0)  }
0x110: {  	v33 =	vld [tilespmem:s28+$0x11];
	vm2 =	vmor vm1, vm0;
	vm1 =	vne.s32 v20, v9;
	(xrf2) =	vadd.scan.msk.f32 $0xffff, v12;
	v24, _, _ =	vpop (xrf2);
	v23 =	vperm.xlane v23, v1  }
0x111: {  	v3 =	vld [tilespmem:s28+$0xFFFFFF10];
	vm3 =	vmor vm1, vm0;
	(xrf2) =	vadd.scan.msk.f32 $0xffff, v10;
	v12 =	vnsel vm2, $0x0, v24;
	v21, _, _ =	vpop (xrf2)  }
0x112: {  	v8 =	vld [tilespmem:s29+$0xFFFFFF10];
	vm1 =	veq.s32 v2, $0x0;
	(xrf0) =	vmax.scan.msk.f32 $0xffff, v12;
	v12 =	vnsel vm3, $0x0, v21  }
0x113: {  	v9 =	vld [tilespmem:s28+$0x40];
	(xrf0) =	vmax.scan.msk.f32 $0xffff, v12;
	v10 =	vsel vm1, $0x0, v23  }
0x114: {  	v13 =	vld [tilespmem:s28+$0x41];
	v10 =	vsub.f32 v16, v10;
	v23, _, _ =	vpop (xrf0)  }
0x115: {  	v12 =	vld [tilespmem:s28+$0x30];
	v16 =	vperm.xlane v23, v1  }
0x116: {  	v4 =	vld [tilespmem:s28+$0xFFFFFF30]  }
0x117: {  	v7 =	vld [tilespmem:s28+$0x0];
	v16 =	vsel vm1, $0x0, v16  }
0x118: {  	[tilespmem:v11+s15+$0x0] =	vst.idx.add.f32.msk vm5, v10;
	v10, _, _ =	vpop (xrf0);
	v16 =	vsub.f32 v17, v16  }
0x119: {  	v5 =	vld [tilespmem:s28+$0xFFFFFF40];
	(xrf2) =	vadd.scan.msk.f32 $0xffff, v18;
	v18, _, _ =	vpop (xrf0)  }
0x11a: {  	v11 =	vld [tilespmem:s28+$0x20];
	vm5 =	vne.s32 v9, v13;
	vm6 =	vne.s32 v12, v30;
	v18 =	vperm.xlane v18, v1  }
0x11b: {  	v6 =	vld [tilespmem:s28+$0xFFFFFF60];
	vm7 =	vmor vm5, vm0;
	vm8 =	vmor vm6, vm0;
	v17, _, _ =	vpop (xrf2);
	(xrf2) =	vadd.scan.msk.f32 $0xffff, v26  }
0x11c: {  	v10 =	vperm.xlane v10, v1;
	[tilespmem:v15+s15+$0x0] =	vst.idx.add.f32.msk vm4, v16;
	v15 =	vsel vm1, $0x0, v18;
	v18 =	vnsel vm7, $0x0, v17;
	v16, _, _ =	vpop (xrf2)  }
0x11d: {  	v13 =	vld [tilespmem:s28+$0x10];
	(xrf0) =	vmax.scan.msk.f32 $0xffff, v18;
	v18 =	vnsel vm8, $0x0, v16  }
0x11e: {  	v30 =	vld [tilespmem:s29+$0x0];
	v10 =	vsel vm1, $0x0, v10  }
0x11f: {  	v23 =	vld [tilespmem:s28+$0xFFFFFF71];
	(xrf2) =	vadd.scan.msk.f32 $0xffff, v31;
	vm4 =	vne.s32 v11, v32;
	v10 =	vsub.f32 v24, v10;
	v15 =	vsub.f32 v21, v15  }
0x120: {  	vm5 =	vne.s32 v5, v25;
	v25 =	vld [tilespmem:s28+$0xFFFFFF21];
	vm9 =	vmor vm4, vm0;
	(xrf0) =	vmax.scan.msk.f32 $0xffff, v18;
	v18, _, _ =	vpop (xrf2)  }
0x121: {  	[tilespmem:v20+s15+$0x0] =	vst.idx.add.f32.msk vm3, v15;
	v15 =	vnsel vm9, $0x0, v18  }
0x122: {  	v26 =	vld [tilespmem:s28+$0xFFFFFF51];
	(xrf0) =	vmax.scan.msk.f32 $0xffff, v15  }
0x123: {  	[tilespmem:v14+s15+$0x0] =	vst.idx.add.f32.msk vm2, v10;
	vm3 =	vne.s32 v13, v33;
	v10, _, _ =	vpop (xrf0)  }
0x124: {  	(xrf2) =	vadd.scan.msk.f32 $0xffff, v30;
	vm10 =	vmor vm3, vm0;
	v20, _, _ =	vpop (xrf2);
	v15 =	vld [tilespmem:s28+$0xFFFFFF50];
	v10 =	vperm.xlane v10, v1  }
0x125: {  	v24 =	vld [tilespmem:s29+$0xFFFFFF60];
	vm3 =	vne.s32 v4, v22;
	v22 =	vnsel vm10, $0x0, v20  }
0x126: {  	v14 =	vld [tilespmem:s28+$0xFFFFFF70];
	(xrf0) =	vmax.scan.msk.f32 $0xffff, v22;
	v30, _, _ =	vpop (xrf0)  }
0x127: {  	vm4 =	vne.s32 v7, v28;
	v21 =	vld [tilespmem:s29+$0xFFFFFF30];
	vm2 =	vne.s32 v3, v19;
	(xrf2) =	vadd.scan.msk.f32 $0xffff, v29;
	v19, _, _ =	vpop (xrf2);
	v28 =	vperm.xlane v30, v1  }
0x128: {  	s30 =	simm.s32 $0x0;
	vm6 =	vne.s32 v6, v27;
	vm4 =	vmor vm4, vm0;
	v29 =	vld [tilespmem:s29+$0xFFFFFF40];
	v27 =	vsel vm1, $0x0, v10;
	v10, _, _ =	vpop (xrf0)  }
.LBB2_21:
0x129: {  	s30 =	sadd.s32 $0x10, s30;
	v22 =	vld [tilespmem:s28+$0xFFFFFF20];
	vm11 =	vne.s32 v15, v26;
	v26 =	vsel vm1, $0x0, v28;
	v27 =	vsub.f32 v17, v27;
	s28 =	sadd.s32 $0x200, s28;
	s29 =	sadd.s32 $0x200, s29;
	v28, _, _ =	vpop (xrf2)  }
0x12a: {  	v17 =	vld [tilespmem:s28+$0x71];
	p0 =	slt.u32 s30, $0x3F0;
	vm12 =	vmor vm11, vm0;
	v16 =	vsub.f32 v16, v26;
	(xrf2) =	vadd.scan.msk.f32 $0xffff, v24  }
0x12b: {  	v24 =	vnsel vm12, $0x0, v19;
	vm11 =	vne.s32 v14, v23;
	v23 =	vperm.xlane v10, v1;
	[tilespmem:v9+s15+$0x0] =	vst.idx.add.f32.msk vm7, v27  }
0x12c: {  	vm11 =	vmor vm11, vm0;
	[tilespmem:v12+s15+$0x0] =	vst.idx.add.f32.msk vm8, v16;
	v9, _, _ =	vpop (xrf0)  }
0x12d: {  	v12 =	vld [tilespmem:s28+$0x61];
	v26 =	vnsel vm11, $0x0, v28;
	v9 =	vperm.xlane v9, v1;
	(xrf2) =	vadd.scan.msk.f32 $0xffff, v29  }
0x12e: {  	v23 =	vsel vm1, $0x0, v23;
	v10 =	vld [tilespmem:s28+$0x60];
	vm7 =	vne.s32 v22, v25;
	v25, _, _ =	vpop (xrf2)  }
0x12f: {  	v18 =	vsub.f32 v18, v23;
	v16 =	vld [tilespmem:s28+$0xFFFFFF00];
	v9 =	vsel vm1, $0x0, v9;
	(xrf0) =	vmax.scan.msk.f32 $0xffff, v24  }
0x130: {  	v24 =	vnsel vm4, $0x0, v25;
	v23 =	vld [tilespmem:s29+$0x70];
	v9 =	vsub.f32 v20, v9;
	(xrf0) =	vmax.scan.msk.f32 $0xffff, v26  }
0x131: {  	vm8 =	vmor vm7, vm0;
	[tilespmem:v11+s15+$0x0] =	vst.idx.add.f32.msk vm9, v18;
	v11, _, _ =	vpop (xrf2);
	(xrf2) =	vadd.scan.msk.f32 $0xffff, v21  }
0x132: {  	v20 =	vld [tilespmem:s29+$0xFFFFFF00];
	v21 =	vnsel vm8, $0x0, v11  }
0x133: {  	v26 =	vld [tilespmem:s28+$0x51];
	vm7 =	vne.s32 v10, v12;
	(xrf0) =	vmax.scan.msk.f32 $0xffff, v24  }
0x134: {  	v12 =	vld [tilespmem:s28+$0xFFFFFF01];
	(xrf2) =	vadd.scan.msk.f32 $0xffff, v8;
	v8, _, _ =	vpop (xrf2)  }
0x135: {  	[tilespmem:v13+s15+$0x0] =	vst.idx.add.f32.msk vm10, v9;
	v9, _, _ =	vpop (xrf0)  }
0x136: {  	v18 =	vld [tilespmem:s28+$0x50];
	v9 =	vperm.xlane v9, v1;
	v13, _, _ =	vpop (xrf0)  }
0x137: {  	vm10 =	vmor vm6, vm0;
	v24 =	vld [tilespmem:s29+$0x60];
	(xrf0) =	vmax.scan.msk.f32 $0xffff, v21;
	v21, _, _ =	vpop (xrf2)  }
0x138: {  	vm5 =	vmor vm5, vm0;
	v29 =	vnsel vm10, $0x0, v8;
	v27 =	vld [tilespmem:s28+$0xFFFFFF11];
	v9 =	vsel vm1, $0x0, v9  }
0x139: {  	v13 =	vperm.xlane v13, v1;
	v31 =	vnsel vm5, $0x0, v21;
	v30 =	vld [tilespmem:s29+$0x50];
	v9 =	vsub.f32 v19, v9;
	(xrf0) =	vmax.scan.msk.f32 $0xffff, v29;
	v19, _, _ =	vpop (xrf0)  }
0x13a: {  	v29 =	vld [tilespmem:s28+$0xFFFFFF10];
	v19 =	vperm.xlane v19, v1;
	(xrf0) =	vmax.scan.msk.f32 $0xffff, v31  }
0x13b: {  	vm6 =	vmor vm2, vm0;
	v13 =	vsel vm1, $0x0, v13;
	v31 =	vld [tilespmem:s28+$0xFFFFFF31];
	v32, _, _ =	vpop (xrf2)  }
0x13c: {  	vm13 =	vmor vm3, vm0;
	v13 =	vsub.f32 v28, v13;
	v33 =	vld [tilespmem:s29+$0x30];
	v19 =	vsel vm1, $0x0, v19  }
0x13d: {  	vm9 =	vne.s32 v18, v26;
	v26 =	vnsel vm13, $0x0, v32;
	v28 =	vld [tilespmem:s29+$0x40];
	v19 =	vsub.f32 v25, v19;
	v25, _, _ =	vpop (xrf0)  }
0x13e: {  	[tilespmem:v15+s15+$0x0] =	vst.idx.add.f32.msk vm12, v9;
	v9, _, _ =	vpop (xrf2);
	(xrf0) =	vmax.scan.msk.f32 $0xffff, v26  }
0x13f: {  	v25 =	vperm.xlane v25, v1;
	vm2 =	vne.s32 v29, v27;
	v15 =	vnsel vm6, $0x0, v9;
	[tilespmem:v7+s15+$0x0] =	vst.idx.add.f32.msk vm4, v19;
	v7, _, _ =	vpop (xrf0)  }
0x140: {  	v7 =	vperm.xlane v7, v1;
	[tilespmem:v14+s15+$0x0] =	vst.idx.add.f32.msk vm11, v13;
	(xrf0) =	vmax.scan.msk.f32 $0xffff, v15;
	v13, _, _ =	vpop (xrf0)  }
0x141: {  	v15 =	vsel vm1, $0x0, v25;
	v14 =	vld [tilespmem:s28+$0xFFFFFF30];
	v13 =	vperm.xlane v13, v1  }
0x142: {  	v11 =	vsub.f32 v11, v15;
	v19 =	vld [tilespmem:s28+$0xFFFFFF41];
	(xrf2) =	vadd.scan.msk.f32 $0xffff, v20  }
0x143: {  	v7 =	vsel vm1, $0x0, v7;
	v15 =	vld [tilespmem:s28+$0xFFFFFF40];
	v13 =	vsel vm1, $0x0, v13  }
0x144: {  	v7 =	vsub.f32 v8, v7;
	[tilespmem:v22+s15+$0x0] =	vst.idx.add.f32.msk vm8, v11;
	v11 =	vsub.f32 v21, v13;
	v8, _, _ =	vpop (xrf0)  }
0x145: {  	v13 =	vld [tilespmem:s28+$0xFFFFFF61];
	(xrf2) =	vadd.scan.msk.f32 $0xffff, v30;
	v8 =	vperm.xlane v8, v1  }
0x146: {  	vm3 =	vne.s32 v14, v31;
	[tilespmem:v6+s15+$0x0] =	vst.idx.add.f32.msk vm10, v7;
	v6, _, _ =	vpop (xrf0)  }
0x147: {  	v7 =	vperm.xlane v6, v1;
	v6 =	vsel vm1, $0x0, v8;
	[tilespmem:v5+s15+$0x0] =	vst.idx.add.f32.msk vm5, v11  }
0x148: {  	v22 =	vld [tilespmem:s29+$0xFFFFFF20];
	vm5 =	vne.s32 v15, v19;
	(xrf2) =	vadd.scan.msk.f32 $0xffff, v24;
	v8 =	vsub.f32 v32, v6;
	v5 =	vmov v15  }
0x149: {  	v6 =	vld [tilespmem:s28+$0xFFFFFF60];
	v7 =	vsel vm1, $0x0, v7  }
0x14a: {  	v7 =	vsub.f32 v9, v7;
	[tilespmem:v4+s15+$0x0] =	vst.idx.add.f32.msk vm13, v8;
	v4 =	vmov v14  }
0x14b: {  	vm4 =	vne.s32 v16, v12;
	v8 =	vld [tilespmem:s29+$0xFFFFFF10];
	(xrf2) =	vadd.scan.msk.f32 $0xffff, v23  }
0x14c: {  	vm8 =	vmor vm4, vm0;
	v11, _, _ =	vpop (xrf2);
	[tilespmem:v3+s15+$0x0] =	vst.idx.add.f32.msk vm6, v7;
	v3 =	vmov v29  }
0x14d: {  	v9 =	vnsel vm8, $0x0, v11;
	v12 =	vld [tilespmem:s28+$0x1]  }
0x14e: {  	vm6 =	vne.s32 v6, v13;
	v7 =	vld [tilespmem:s28+$0x0];
	(xrf0) =	vmax.scan.msk.f32 $0xffff, v9  }
0x14f: {  	vm9 =	vmor vm9, vm0;
	v14 =	vld [tilespmem:s28+$0x70];
	(xrf2) =	vadd.scan.msk.f32 $0xffff, v28;
	v13, _, _ =	vpop (xrf2)  }
0x150: {  	v15 =	vld [tilespmem:s29+$0x20];
	v9 =	vnsel vm9, $0x0, v13  }
0x151: {  	v19 =	vld [tilespmem:s29+$0x10];
	(xrf0) =	vmax.scan.msk.f32 $0xffff, v9  }
0x152: {  	vm11 =	vmor vm7, vm0;
	v20 =	vld [tilespmem:s28+$0x41];
	(xrf2) =	vadd.scan.msk.f32 $0xffff, v33;
	v23, _, _ =	vpop (xrf2)  }
0x153: {  	vm4 =	vne.s32 v7, v12;
	v9 =	vld [tilespmem:s28+$0x40];
	v12 =	vnsel vm11, $0x0, v23  }
0x154: {  	v21 =	vld [tilespmem:s29+$0xFFFFFF50];
	vm7 =	vne.s32 v14, v17;
	v17, _, _ =	vpop (xrf0);
	(xrf0) =	vmax.scan.msk.f32 $0xffff, v12  }
0x155: {  	v17 =	vperm.xlane v17, v1;
	v24 =	vld [tilespmem:s28+$0x31];
	vm12 =	vmor vm7, vm0;
	(xrf2) =	vadd.scan.msk.f32 $0xffff, v15;
	v15, _, _ =	vpop (xrf2)  }
0x156: {  	v12 =	vld [tilespmem:s28+$0x30];
	v25 =	vnsel vm12, $0x0, v15  }
0x157: {  	vm4 =	vmor vm4, vm0;
	v29 =	vsel vm1, $0x0, v17;
	v26 =	vld [tilespmem:s29+$0xFFFFFF70];
	v27, _, _ =	vpop (xrf0);
	(xrf0) =	vmax.scan.msk.f32 $0xffff, v25  }
0x158: {  	v25 =	vsub.f32 v11, v29;
	v28 =	vld [tilespmem:s28+$0x21];
	vm7 =	vne.s32 v9, v20;
	v27 =	vperm.xlane v27, v1;
	(xrf2) =	vadd.scan.msk.f32 $0xffff, v19  }
0x159: {  	v11 =	vld [tilespmem:s28+$0x20];
	vm7 =	vmor vm7, vm0;
	v17, _, _ =	vpop (xrf2)  }
0x15a: {  	[tilespmem:v16+s15+$0x0] =	vst.idx.add.f32.msk vm8, v25;
	v19 =	vnsel vm7, $0x0, v17;
	v27 =	vsel vm1, $0x0, v27;
	v20, _, _ =	vpop (xrf0)  }
0x15b: {  	v25 =	vld [tilespmem:s28+$0x11];
	vm8 =	vne.s32 v12, v24;
	v24 =	vsub.f32 v13, v27;
	v20 =	vperm.xlane v20, v1;
	(xrf2) =	vadd.scan.msk.f32 $0xffff, v21  }
0x15c: {  	v13 =	vld [tilespmem:s28+$0x10];
	vm8 =	vmor vm8, vm0;
	v16, _, _ =	vpop (xrf2)  }
0x15d: {  	v27 =	vnsel vm8, $0x0, v16;
	[tilespmem:v18+s15+$0x0] =	vst.idx.add.f32.msk vm9, v24;
	v20 =	vsel vm1, $0x0, v20;
	(xrf0) =	vmax.scan.msk.f32 $0xffff, v19;
	v19, _, _ =	vpop (xrf0)  }
0x15e: {  	v21 =	vld [tilespmem:s29+$0xFFFFFF30];
	vm9 =	vne.s32 v11, v28;
	v28 =	vsub.f32 v23, v20;
	v19 =	vperm.xlane v19, v1;
	(xrf0) =	vmax.scan.msk.f32 $0xffff, v27  }
0x15f: {  	v27 =	vld [tilespmem:s29+$0x0];
	(xrf2) =	vadd.scan.msk.f32 $0xffff, v26;
	v18, _, _ =	vpop (xrf2)  }
0x160: {  	vm9 =	vmor vm9, vm0;
	v23 =	vld [tilespmem:s28+$0xFFFFFF71];
	v19 =	vsel vm1, $0x0, v19  }
0x161: {  	v24 =	vld [tilespmem:s29+$0xFFFFFF60];
	vm10 =	vne.s32 v13, v25;
	v25 =	vnsel vm9, $0x0, v18;
	v15 =	vsub.f32 v15, v19  }
0x162: {  	v26 =	vld [tilespmem:s28+$0xFFFFFF51];
	vm10 =	vmor vm10, vm0;
	v20, _, _ =	vpop (xrf2);
	(xrf0) =	vmax.scan.msk.f32 $0xffff, v25  }
0x163: {  	v25 =	vnsel vm10, $0x0, v20;
	[tilespmem:v14+s15+$0x0] =	vst.idx.add.f32.msk vm12, v15;
	v29, _, _ =	vpop (xrf0)  }
.Ltmp9:
0x164: {  	v15 =	vld [tilespmem:s28+$0xFFFFFF50];
	(xrf2) =	vadd.scan.msk.f32 $0xffff, v27;
	v27, _, _ =	vpop (xrf0);
	(pc) =	sbr.rel @p0 .LBB2_21-.Ltmp9, $4  }
0x165: {  	[tilespmem:v10+s15+$0x0] =	vst.idx.add.f32.msk vm11, v28;
	v19, _, _ =	vpop (xrf2)  }
0x166: {  	v30 =	vperm.xlane v29, v1;
	v14 =	vld [tilespmem:s28+$0xFFFFFF70];
	(xrf0) =	vmax.scan.msk.f32 $0xffff, v25  }
0x167: {  	v28 =	vperm.xlane v27, v1;
	v25 =	vld [tilespmem:s28+$0xFFFFFF21];
	(xrf2) =	vadd.scan.msk.f32 $0xffff, v22  }
0x168: {  	v27 =	vsel vm1, $0x0, v30;
	v29 =	vld [tilespmem:s29+$0xFFFFFF40];
	v10, _, _ =	vpop (xrf0)  }
0x169: {  	vm11 =	vne.s32 v15, v26  }
0x16a: {  	vm11 =	vmor vm11, vm0  }
0x16b: {  	(xrf2) =	vadd.scan.msk.f32 $0xffff, v24;
	v22 =	vnsel vm11, $0x0, v19  }
0x16c: {  	(xrf0) =	vmax.scan.msk.f32 $0xffff, v22  }
0x16d: {  	(xrf2) =	vadd.scan.msk.f32 $0xffff, v29  }
0x16e: {  	(xrf2) =	vadd.scan.msk.f32 $0xffff, v21  }
0x16f: {  	v21 =	vld [tilespmem:s28+$0xFFFFFF20];
	(xrf2) =	vadd.scan.msk.f32 $0xffff, v8;
	_ =	sdelay $0x1  }
0x170: {  	v52, _, _ =	vpop (xrf2);
	vm12 =	vne.s32 v14, v23  }
0x171: {  	vm12 =	vmor vm12, vm0;
	v56, _, _ =	vpop (xrf0)  }
0x172: {  	v55 =	vnsel vm12, $0x0, v52;
	v53, _, _ =	vpop (xrf2)  }
0x173: {  	(xrf0) =	vmax.scan.msk.f32 $0xffff, v55;
	v57 =	vnsel vm4, $0x0, v53;
	v54, _, _ =	vpop (xrf2);
	vm13 =	vne.s32 v21, v25  }
0x174: {  	(xrf0) =	vmax.scan.msk.f32 $0xffff, v57;
	v60, _, _ =	vpop (xrf0);
	vm13 =	vmor vm13, vm0  }
0x175: {  	vm6 =	vmor vm6, vm0;
	v58, _, _ =	vpop (xrf2);
	v59 =	vnsel vm13, $0x0, v54  }
0x176: {  	vm5 =	vmor vm5, vm0;
	v30 =	vnsel vm6, $0x0, v58;
	(xrf0) =	vmax.scan.msk.f32 $0xffff, v59;
	v61, _, _ =	vpop (xrf2)  }
0x177: {  	v28 =	vsel vm1, $0x0, v28;
	vm3 =	vmor vm3, vm0;
	(xrf0) =	vmax.scan.msk.f32 $0xffff, v30;
	v31 =	vnsel vm5, $0x0, v61;
	v62, _, _ =	vpop (xrf2)  }
0x178: {  	v10 =	vperm.xlane v10, v1;
	vm2 =	vmor vm2, vm0;
	(xrf0) =	vmax.scan.msk.f32 $0xffff, v31;
	v63 =	vnsel vm3, $0x0, v62;
	v32, _, _ =	vpop (xrf2)  }
0x179: {  	v17 =	vsub.f32 v17, v27;
	v26 =	vperm.xlane v56, v1;
	v35, _, _ =	vpop (xrf0);
	(xrf0) =	vmax.scan.msk.f32 $0xffff, v63;
	v36 =	vnsel vm2, $0x0, v32  }
0x17a: {  	v16 =	vsub.f32 v16, v28;
	v10 =	vsel vm1, $0x0, v10;
	v29 =	vperm.xlane v60, v1;
	v37, _, _ =	vpop (xrf0);
	(xrf0) =	vmax.scan.msk.f32 $0xffff, v36  }
0x17b: {  	[tilespmem:v9+s15+$0x0] =	vst.idx.add.f32.msk vm7, v17;
	v10 =	vsub.f32 v18, v10;
	v38 =	vsel vm1, $0x0, v26;
	v42 =	vperm.xlane v35, v1  }
0x17c: {  	[tilespmem:v12+s15+$0x0] =	vst.idx.add.f32.msk vm8, v16;
	v9 =	vsub.f32 v20, v38;
	v41 =	vsel vm1, $0x0, v29;
	v39 =	vperm.xlane v37, v1;
	v40, _, _ =	vpop (xrf0)  }
0x17d: {  	[tilespmem:v11+s15+$0x0] =	vst.idx.add.f32.msk vm9, v10;
	v44 =	vsub.f32 v19, v41;
	v47 =	vsel vm1, $0x0, v42;
	v43, _, _ =	vpop (xrf0);
	v46 =	vperm.xlane v40, v1  }
0x17e: {  	[tilespmem:v13+s15+$0x0] =	vst.idx.add.f32.msk vm10, v9;
	v8 =	vsub.f32 v52, v47;
	v45 =	vsel vm1, $0x0, v39;
	v48 =	vperm.xlane v43, v1;
	v49, _, _ =	vpop (xrf0)  }
0x17f: {  	[tilespmem:v15+s15+$0x0] =	vst.idx.add.f32.msk vm11, v44;
	v11 =	vsub.f32 v53, v45;
	v50 =	vsel vm1, $0x0, v46;
	v51 =	vperm.xlane v49, v1;
	v52, _, _ =	vpop (xrf0)  }
0x180: {  	s26 =	sadd.s32 $0x1, s26;
	[tilespmem:v14+s15+$0x0] =	vst.idx.add.f32.msk vm12, v8;
	v53 =	vsub.f32 v54, v50;
	v54 =	vsel vm1, $0x0, v48;
	v55 =	vperm.xlane v52, v1;
	v56, _, _ =	vpop (xrf0)  }
0x181: {  	p0 =	sne.s32 s26, $0x4;
	[tilespmem:v7+s15+$0x0] =	vst.idx.add.f32.msk vm4, v11;
	v9 =	vsub.f32 v58, v54;
	v57 =	vsel vm1, $0x0, v51;
	v58 =	vperm.xlane v56, v1  }
.Ltmp10:
0x182: {  	[tilespmem:v21+s15+$0x0] =	vst.idx.add.f32.msk vm13, v53;
	v59 =	vsub.f32 v61, v57;
	v60 =	vsel vm1, $0x0, v55;
	(pc) =	sbr.rel @p0 .LBB2_8-.Ltmp10, $4  }
0x183: {  	[tilespmem:v6+s15+$0x0] =	vst.idx.add.f32.msk vm6, v9;
	v61 =	vsub.f32 v62, v60;
	v62 =	vsel vm1, $0x0, v58  }
0x184: {  	[tilespmem:v5+s15+$0x0] =	vst.idx.add.f32.msk vm5, v59;
	v63 =	vsub.f32 v32, v62  }
0x185: {  	[tilespmem:v4+s15+$0x0] =	vst.idx.add.f32.msk vm3, v61  }
0x186: {  	[tilespmem:v3+s15+$0x0] =	vst.idx.add.f32.msk vm2, v63  }
0x187: {  	s0 =	simm.s32 $0x80  }
0x188: {  	[spmem:s9] =	stream.strided.scatter [tilespmem:s15], [sflag:$0x5], $0x1000, s19, s0, $0x38;
	[tilespmem:$0x13100] =	vst v63  }
0x189: {  	_ =	swait.ge [sflag:s20], $0x1000  }
0x18a: {  	[sflag:s20] =	ssyncset.done $0x0  }
0x18b: {  	[sflag:s20] =	ssyncadd.s32 $0xFFFFF000  }
0x18c: {  	[bflag:$0x0] =	sbarrier.arrive $0xFFFF  }
0x18d: {  	[tilespmem:s23], [sflag:$0x5] =	stream.strided.gather [spmem:s10], $0x1000, s22, s21, $0x38;
	[tilespmem:$0x13100] =	vst v63  }
0x18e: {  	s0 =	simm.s32 $0x0;
	_ =	swait.ge [sflag:s20], $0x1000  }
0x18f: {  	s2 =	sand.u32 $0x70, s0;
	s18 =	sand.u32 $0x400, s0;
	[sflag:s20] =	ssyncset.done $0x0  }
0x190: {  	s26 =	sor.u32 s2, s18;
	[sflag:s20] =	ssyncadd.s32 $0xFFFFF000  }
0x191: {  	v3 =	vld [tilespmem:s26+$0x11180]  }
0x192: {  	v4 =	vld [tilespmem:s26+$0x11100];
	_ =	sdelay $0x1  }
0x193: {  	v5 =	vld [tilespmem:s26+$0x11200];
	_ =	sdelay $0x1  }
0x194: {  	v6 =	vld [tilespmem:s26+$0x11280]  }
0x195: {  	v3 =	vadd.f32 v3, v4  }
0x196: {  	v4 =	vld [tilespmem:s26+$0x11300]  }
0x197: {  	v3 =	vadd.f32 v5, v3  }
0x198: {  	v5 =	vld [tilespmem:s26+$0x11380]  }
0x199: {  	v3 =	vadd.f32 v6, v3  }
0x19a: {  	s0 =	sor.u32 s0, s0;
	v60 =	vld [tilespmem:s26+$0x11400]  }
0x19b: {  	s0 =	sor.u32 $0x380, s0;
	v3 =	vadd.f32 v4, v3  }
0x19c: {  	v4 =	vld [tilespmem:s0+$0x11100]  }
0x19d: {  	v3 =	vadd.f32 v5, v3  }
0x19e: {  	v5 =	vld [tilespmem:s26+$0x11900]  }
0x19f: {  	v3 =	vadd.f32 v60, v3  }
0x1a0: {  	v61 =	vld [tilespmem:s26+$0x11980]  }
0x1a1: {  	v3 =	vadd.f32 v4, v3  }
0x1a2: {  	v4 =	vld [tilespmem:s26+$0x11A00]  }
0x1a3: {  	v3 =	vadd.f32 v5, v3  }
0x1a4: {  	v5 =	vld [tilespmem:s26+$0x11A80]  }
0x1a5: {  	v3 =	vadd.f32 v61, v3  }
0x1a6: {  	v62 =	vld [tilespmem:s26+$0x11B00]  }
0x1a7: {  	v3 =	vadd.f32 v4, v3  }
0x1a8: {  	v4 =	vld [tilespmem:s26+$0x11B80]  }
0x1a9: {  	v3 =	vadd.f32 v5, v3  }
0x1aa: {  	v5 =	vld [tilespmem:s26+$0x11C00]  }
0x1ab: {  	v3 =	vadd.f32 v62, v3  }
0x1ac: {  	v63 =	vld [tilespmem:s26+$0x11C80]  }
0x1ad: {  	v3 =	vadd.f32 v4, v3;
	_ =	sdelay $0x1  }
0x1ae: {  	v3 =	vadd.f32 v5, v3  }
0x1af: {  	s28 =	simm.s32 $0x10;
	s29 =	simm.s32 $0x80  }
0x1b0: {  	s2 =	sand.u32 $0x70, s28;
	s18 =	sand.u32 $0x400, s29;
	v3 =	vadd.f32 v63, v3  }
0x1b1: {  	s30 =	simm.s32 $0x20;
	s31 =	sor.u32 s2, s18  }
.LBB2_24:
0x1b2: {  	p0 =	sne.s32 s30, $0xF0;
	v4 =	vld [tilespmem:s31+$0x11180];
	[tilespmem:s26+$0x11100] =	vst v3;
	s26 =	smov.u32 s31  }
0x1b3: {  	v3 =	vld [tilespmem:s26+$0x11100];
	_ =	sdelay $0x1  }
0x1b4: {  	v5 =	vld [tilespmem:s26+$0x11200];
	_ =	sdelay $0x1  }
0x1b5: {  	v6 =	vld [tilespmem:s26+$0x11280]  }
0x1b6: {  	v3 =	vadd.f32 v4, v3  }
0x1b7: {  	v4 =	vld [tilespmem:s26+$0x11300]  }
0x1b8: {  	v3 =	vadd.f32 v5, v3  }
0x1b9: {  	v5 =	vld [tilespmem:s26+$0x11380]  }
0x1ba: {  	v3 =	vadd.f32 v6, v3  }
0x1bb: {  	s0 =	sor.u32 s29, s28;
	s28 =	smov.u32 s30;
	v6 =	vld [tilespmem:s26+$0x11400]  }
0x1bc: {  	s0 =	sor.u32 $0x380, s0;
	v3 =	vadd.f32 v4, v3  }
0x1bd: {  	v4 =	vld [tilespmem:s0+$0x11100]  }
0x1be: {  	v3 =	vadd.f32 v5, v3  }
0x1bf: {  	v5 =	vld [tilespmem:s26+$0x11900]  }
0x1c0: {  	v3 =	vadd.f32 v6, v3  }
0x1c1: {  	v6 =	vld [tilespmem:s26+$0x11980]  }
0x1c2: {  	v3 =	vadd.f32 v4, v3  }
0x1c3: {  	v4 =	vld [tilespmem:s26+$0x11A00]  }
0x1c4: {  	v3 =	vadd.f32 v5, v3  }
0x1c5: {  	v5 =	vld [tilespmem:s26+$0x11A80]  }
0x1c6: {  	v3 =	vadd.f32 v6, v3  }
0x1c7: {  	v6 =	vld [tilespmem:s26+$0x11B00]  }
0x1c8: {  	v3 =	vadd.f32 v4, v3  }
0x1c9: {  	v4 =	vld [tilespmem:s26+$0x11B80]  }
0x1ca: {  	v3 =	vadd.f32 v5, v3  }
0x1cb: {  	v5 =	vld [tilespmem:s26+$0x11C00]  }
0x1cc: {  	v3 =	vadd.f32 v6, v3  }
0x1cd: {  	v6 =	vld [tilespmem:s26+$0x11C80]  }
0x1ce: {  	v3 =	vadd.f32 v4, v3  }
.Ltmp11:
0x1cf: {  	(pc) =	sbr.rel @p0 .LBB2_24-.Ltmp11, $4  }
0x1d0: {  	v3 =	vadd.f32 v5, v3  }
0x1d1: {  	s29 =	sadd.s32 $0x80, s29  }
0x1d2: {  	s2 =	sand.u32 $0x400, s29;
	s0 =	sand.u32 $0x70, s30;
	v3 =	vadd.f32 v6, v3  }
0x1d3: {  	s30 =	sadd.s32 $0x10, s30;
	s31 =	sor.u32 s0, s2  }
0x1d4: {  	v4 =	vld [tilespmem:s31+$0x11180];
	[tilespmem:s26+$0x11100] =	vst v3  }
0x1d5: {  	v3 =	vld [tilespmem:s31+$0x11100];
	_ =	sdelay $0x1  }
0x1d6: {  	v5 =	vld [tilespmem:s31+$0x11200];
	_ =	sdelay $0x1  }
0x1d7: {  	v6 =	vld [tilespmem:s31+$0x11280]  }
0x1d8: {  	v3 =	vadd.f32 v4, v3  }
0x1d9: {  	v52 =	vld [tilespmem:s31+$0x11300]  }
0x1da: {  	v3 =	vadd.f32 v5, v3  }
0x1db: {  	v53 =	vld [tilespmem:s31+$0x11380]  }
0x1dc: {  	v3 =	vadd.f32 v6, v3  }
0x1dd: {  	v54 =	vld [tilespmem:s31+$0x11400];
	s0 =	sor.u32 s29, s28  }
0x1de: {  	s0 =	sor.u32 $0x380, s0;
	v3 =	vadd.f32 v52, v3  }
0x1df: {  	v55 =	vld [tilespmem:s0+$0x11100]  }
0x1e0: {  	v3 =	vadd.f32 v53, v3  }
0x1e1: {  	v56 =	vld [tilespmem:s31+$0x11900]  }
0x1e2: {  	v3 =	vadd.f32 v54, v3  }
0x1e3: {  	v57 =	vld [tilespmem:s31+$0x11980]  }
0x1e4: {  	v3 =	vadd.f32 v55, v3  }
0x1e5: {  	v58 =	vld [tilespmem:s31+$0x11A00]  }
0x1e6: {  	v3 =	vadd.f32 v56, v3  }
0x1e7: {  	v59 =	vld [tilespmem:s31+$0x11A80]  }
0x1e8: {  	v3 =	vadd.f32 v57, v3  }
0x1e9: {  	v60 =	vld [tilespmem:s31+$0x11B00]  }
0x1ea: {  	v3 =	vadd.f32 v58, v3  }
0x1eb: {  	v61 =	vld [tilespmem:s31+$0x11B80]  }
0x1ec: {  	v3 =	vadd.f32 v59, v3  }
0x1ed: {  	v62 =	vld [tilespmem:s31+$0x11C00]  }
0x1ee: {  	v3 =	vadd.f32 v60, v3  }
0x1ef: {  	v63 =	vld [tilespmem:s31+$0x11C80]  }
0x1f0: {  	v3 =	vadd.f32 v61, v3;
	_ =	sdelay $0x1  }
0x1f1: {  	v3 =	vadd.f32 v62, v3;
	_ =	sdelay $0x1  }
0x1f2: {  	v3 =	vadd.f32 v63, v3  }
0x1f3: {  	s25 =	sadd.s32 $0x1, s25  }
0x1f4: {  	p0 =	sne.s32 s25, s12;
	[tilespmem:s31+$0x11100] =	vst v3  }
0x1f5: {  	[hbm4b:s11+s3] =	stream.linear.scatter [tilespmem:s23], [sflag:$0x5], $0x80, $0x38;
	[tilespmem:$0x13100] =	vst v63  }
.Ltmp12:
0x1f6: {  	s31 =	sadd.s32 $0x20, s11;
	(pc) =	sbr.rel @p0 .LBB2_1-.Ltmp12, $4  }
0x1f7: {  	[hbm4b:s31+s3] =	stream.linear.scatter [tilespmem:s24], [sflag:$0x5], $0x80, $0x38;
	[tilespmem:$0x13100] =	vst v63  }
0x1f8: {  	_ =	swait.ge [sflag:s20], $0x100  }
0x1f9: {  	[sflag:s20] =	ssyncset.done $0x0  }
0x1fa: {  	[sflag:s20] =	ssyncadd.s32 $0xFFFFFF00  }
0x1fb: {  	_ =	sfence.sel $0x180000  }
0x1fc: {  	[bflag:$0x0] =	sbarrier.arrive $0xFFFF  }
0x1fd: {  	_ =	strace $0x90000047  }
0x1fe: {  	s0 =	stileid.u32;
	[bflag:$0x2] =	sbarrier.arrive $0xFFFF  }
0x1ff: {  	p0 =	sne.s32 s0, $0x0;
	s0 =	rddreg [dreg:$0x4]  }
0x200: {  	s0 =	sadd.s32 @!p0 $0x100000, s0  }
0x201: {  	[sflag:s0] =	ssyncadd.tile.s32 @!p0 $0x1;
	_ =	shalt  }
.Lfunc_end2:
_tile_overlayer_lowered:
.L_overlay_start_2:
0x202: {  	(tag) =	ssettag $0x2  }
0x203: {  	s0 =	rddreg [dreg:$0x0];
	s2 =	stileid.u32  }
0x204: {  	s1 =	rddreg [dreg:$0x1];
	p0 =	sne.s32 s2, $0x0  }
0x205: {  	s3 =	rddreg [dreg:$0x2];
	[bflag:$0x3] =	sbarrier.arrive $0xFFFF;
	s2 =	simm.s32 @!p0 $0x1C05  }
0x206: {  	[timem:s3], [sflag:s2] =	dma.local @!p0 [hbm:s0], s1  }
0x207: {  	s0 =	simm.s32 @!p0 $0x5  }
0x208: {  	_ =	swait.ge @!p0 [sflag:s0], s1  }
0x209: {  	s1 =	ssub.s32 @!p0 $0x0, s1;
	[sflag:s0] =	ssyncset.done @!p0 $0x0  }
0x20a: {  	[sflag:s0] =	ssyncadd.s32 @!p0 s1  }
0x20b: {  	[bflag:$0x3] =	sbarrier.arrive $0xFFFF  }
0x20c: {  	_ =	shalt  }

</sc_bundles>
